<compile_context>
chip_gen: v7x
topology: tpu7x:2x2x1
jax: 0.10.2.dev20260603
libtpu: 0.0.44.dev20260713+nightly
codegen_flags: <defaults>
</compile_context>

<pallas_src>
import functools

import jax
import jax.numpy as jnp
from jax import lax
from jax.experimental import pallas as pl
from jax.experimental.pallas import tpu as pltpu
from jax.experimental.pallas import tpu_sc as plsc

_NC = 2
_NS = 16
_NW = _NC * _NS
_CH = 128
_G = 20

_N = 10000
_NT = 10240
_PER = _NT // _NS


def _sc_mesh():
    return plsc.VectorSubcoreMesh(
        core_axis_name="c", subcore_axis_name="s",
        num_cores=_NC, num_subcores=_NS)



_HK = 8


def _hist_body(cpw, col_hbm, out_hbm, col_all, ones_v, slice_v, sem, deg_sh):
    cid = lax.axis_index("c")
    sid = lax.axis_index("s")
    w = cid * _NS + sid

    def zb(j, _):
        slice_v[pl.ds(j * 16, 16)] = jnp.zeros((16,), jnp.float32)
        return 0
    lax.fori_loop(0, _PER // 16, zb, 0)
    pltpu.sync_copy(slice_v, deg_sh.at[pl.ds(sid * _PER, _PER)])

    def ob(j, _):
        ones_v[pl.ds(j * 16, 16)] = jnp.ones((16,), jnp.float32)
        return 0
    lax.fori_loop(0, _CH // 16, ob, 0)
    pltpu.sync_copy(col_hbm.at[pl.ds(w * cpw, cpw)], col_all)
    plsc.subcore_barrier()

    def body(i, _):
        pltpu.sync_copy(ones_v, deg_sh.at[col_all.at[i]], add=True)
        return 0
    lax.fori_loop(0, cpw, body, 0)
    plsc.subcore_barrier()

    pltpu.sync_copy(deg_sh.at[pl.ds(sid * _PER, _PER)], slice_v)
    pltpu.sync_copy(slice_v, out_hbm.at[pl.ds(cid * _NT + sid * _PER, _PER)])


def _make_hist(cpw):
    return functools.partial(
        pl.kernel, mesh=_sc_mesh(),
        compiler_params=pltpu.CompilerParams(use_tc_tiling_on_sc=False),
        out_type=jax.ShapeDtypeStruct((_NC * _NT,), jnp.float32),
        scratch_types=[
            pltpu.VMEM((cpw, _CH), jnp.int32),
            pltpu.VMEM((_CH,), jnp.float32),
            pltpu.VMEM((_PER,), jnp.float32),
            pltpu.SemaphoreType.DMA,
            pltpu.VMEM_SHARED((_NT,), jnp.float32),
        ],
    )(functools.partial(_hist_body, cpw))



def _agg_body(cpw, src_hbm, row_hbm, col_hbm, out_hbm,
              row_all, col_all, m0, m1, m2, m3, bufa,
              g0, g1, g2, g3, tbl_sh):
    cid = lax.axis_index("c")
    sid = lax.axis_index("s")
    w = cid * _NS + sid

    def zb(j, _):
        bufa[j, :] = jnp.zeros((16,), jnp.float32)
        return 0
    lax.fori_loop(0, _PER, zb, 0)
    pltpu.sync_copy(bufa, tbl_sh.at[pl.ds(sid * _PER, _PER)])
    pltpu.sync_copy(row_hbm.at[pl.ds(w * cpw, cpw)], row_all)
    pltpu.sync_copy(col_hbm.at[pl.ds(w * cpw, cpw)], col_all)
    plsc.subcore_barrier()

    msgs = (m0, m1, m2, m3)
    gs = (g0, g1, g2, g3)

    def _gather(j, k):
        pltpu.async_copy(src_hbm.at[row_all.at[j]], msgs[k], gs[k])

    def _gwait(j, k):
        pltpu.make_async_copy(src_hbm.at[row_all.at[j]], msgs[k], gs[k]).wait()

    def _scat(j, k):
        pltpu.sync_copy(msgs[k], tbl_sh.at[col_all.at[j]], add=True)

    for k in range(4):
        _gather(k, k)

    def body(i, _):
        for kp in range(4):
            j = 4 * i + kp
            _gwait(j, kp)
            _scat(j, kp)
            _gather(j + 4, kp)
        return 0
    lax.fori_loop(0, (cpw - 4) // 4, body, 0)
    for kp in range(4):
        j = cpw - 4 + kp
        _gwait(j, kp)
        _scat(j, kp)
    plsc.subcore_barrier()

    pltpu.sync_copy(tbl_sh.at[pl.ds(sid * _PER, _PER)], bufa)
    pltpu.sync_copy(bufa, out_hbm.at[pl.ds(cid * _NT + sid * _PER, _PER)])


def _make_agg(cpw):
    return functools.partial(
        pl.kernel, mesh=_sc_mesh(),
        compiler_params=pltpu.CompilerParams(use_tc_tiling_on_sc=False),
        out_type=jax.ShapeDtypeStruct((_NC * _NT, 16), jnp.float32),
        scratch_types=[
            pltpu.VMEM((cpw, _CH), jnp.int32),
            pltpu.VMEM((cpw, _CH), jnp.int32),
            pltpu.VMEM((_CH, 16), jnp.float32),
            pltpu.VMEM((_CH, 16), jnp.float32),
            pltpu.VMEM((_CH, 16), jnp.float32),
            pltpu.VMEM((_CH, 16), jnp.float32),
            pltpu.VMEM((_PER, 16), jnp.float32),
            pltpu.SemaphoreType.DMA,
            pltpu.SemaphoreType.DMA,
            pltpu.SemaphoreType.DMA,
            pltpu.SemaphoreType.DMA,
            pltpu.VMEM_SHARED((_NT, 16), jnp.float32),
        ],
    )(functools.partial(_agg_body, cpw))



_BN = 2000


def _mm1_body(x_ref, w_ref, o_ref):
    o_ref[...] = jnp.dot(x_ref[...], w_ref[...],
                         preferred_element_type=jnp.float32)


def _dinv_body(degp_ref, o_ref):
    deg = degp_ref[0, :] + degp_ref[1, :] + 1.0
    o_ref[...] = lax.rsqrt(deg)[:, None]


def _scale_body(dinv_ref, h1_ref, o_ref):
    o_ref[...] = h1_ref[...] * dinv_ref[...]


def _post1_body(dinv_ref, p1_ref, h1s_ref, b1_ref, o_ref):
    dinv = dinv_ref[...]
    agg = (p1_ref[0] + p1_ref[1] + h1s_ref[...]) * dinv
    z = jnp.maximum(agg + b1_ref[...], 0.0)
    o_ref[...] = z * dinv


def _post2_body(dinv_ref, p2_ref, zs_ref, w2_ref, b2_ref, o_ref):
    dinv = dinv_ref[...]
    agg = (p2_ref[0] + p2_ref[1] + zs_ref[...]) * dinv
    o_ref[...] = jnp.dot(agg, w2_ref[...],
                         preferred_element_type=jnp.float32) + b2_ref[...]



def kernel(x, edge_index, W1, b1, W2, b2):
    n, d_in = x.shape
    hid = W1.shape[1]
    d_out = W2.shape[1]
    e = edge_index.shape[1]
    assert n == _N and hid == 16

    quant = _NW * _CH * 4
    ep = ((e + quant - 1) // quant) * quant
    cpw = ep // (_NW * _CH)
    pad = ep - e
    parange = jnp.arange(pad, dtype=jnp.int32)
    rowp = jnp.concatenate(
        [edge_index[0], parange % n]).reshape(_NW * cpw, _CH)
    colp = jnp.concatenate(
        [edge_index[1], n + (parange % (_NT - n))]).reshape(_NW * cpw, _CH)

    grid = n // _BN
    h1 = pl.pallas_call(
        _mm1_body,
        grid=(grid,),
        in_specs=[pl.BlockSpec((_BN, d_in), lambda i: (i, 0)),
                  pl.BlockSpec((d_in, hid), lambda i: (0, 0))],
        out_specs=pl.BlockSpec((_BN, hid), lambda i: (i, 0)),
        out_shape=jax.ShapeDtypeStruct((n, hid), jnp.float32),
    )(x, W1)

    degp = _make_hist(cpw)(colp).reshape(_NC, _NT)

    dinv = pl.pallas_call(
        _dinv_body,
        grid=(1,),
        in_specs=[pl.BlockSpec((_NC, _NT), lambda i: (0, 0))],
        out_specs=pl.BlockSpec((_NT, 1), lambda i: (0, 0)),
        out_shape=jax.ShapeDtypeStruct((_NT, 1), jnp.float32),
    )(degp)[:n]

    h1s = pl.pallas_call(
        _scale_body,
        grid=(grid,),
        in_specs=[pl.BlockSpec((_BN, 1), lambda i: (i, 0)),
                  pl.BlockSpec((_BN, hid), lambda i: (i, 0))],
        out_specs=pl.BlockSpec((_BN, hid), lambda i: (i, 0)),
        out_shape=jax.ShapeDtypeStruct((n, hid), jnp.float32),
    )(dinv, h1)

    agg = _make_agg(cpw)
    p1 = agg(h1s, rowp, colp).reshape(_NC, _NT, hid)

    b1r = b1.reshape(1, hid)
    zs = pl.pallas_call(
        _post1_body,
        grid=(grid,),
        in_specs=[pl.BlockSpec((_BN, 1), lambda i: (i, 0)),
                  pl.BlockSpec((_NC, _BN, hid), lambda i: (0, i, 0)),
                  pl.BlockSpec((_BN, hid), lambda i: (i, 0)),
                  pl.BlockSpec((1, hid), lambda i: (0, 0))],
        out_specs=pl.BlockSpec((_BN, hid), lambda i: (i, 0)),
        out_shape=jax.ShapeDtypeStruct((n, hid), jnp.float32),
    )(dinv, p1, h1s, b1r)

    p2 = agg(zs, rowp, colp).reshape(_NC, _NT, hid)

    b2r = b2.reshape(1, d_out)
    out = pl.pallas_call(
        _post2_body,
        grid=(grid,),
        in_specs=[pl.BlockSpec((_BN, 1), lambda i: (i, 0)),
                  pl.BlockSpec((_NC, _BN, hid), lambda i: (0, i, 0)),
                  pl.BlockSpec((_BN, hid), lambda i: (i, 0)),
                  pl.BlockSpec((hid, d_out), lambda i: (0, 0)),
                  pl.BlockSpec((1, d_out), lambda i: (0, 0))],
        out_specs=pl.BlockSpec((_BN, d_out), lambda i: (i, 0)),
        out_shape=jax.ShapeDtypeStruct((n, d_out), jnp.float32),
    )(dinv, p2, zs, W2, b2r)

    return out

# --- scband reference (transcript-rebuilt; emitter-appended) ---
"""Pipeline reference for scband-gcn-5858335392240 (READ-ONLY COPY).

The authoritative reference and input builder live on the scoring server;
editing this copy changes nothing except your own understanding.
"""

import jax, jax.numpy as jnp
import numpy as np

N = 10000
E = 320000
D_IN = 128
HID = 16
D_OUT = 128


def setup_inputs(seed: int = 0) -> dict:
    key = jax.random.key(seed)
    k1, k2, k3, k4 = jax.random.split(key, 4)
    x = jax.random.normal(k1, (N, D_IN), dtype=jnp.float32)
    edge_index = jax.random.randint(k2, (2, E), 0, N, dtype=jnp.int32)
    W1 = jax.random.normal(k3, (D_IN, HID), dtype=jnp.float32) * (1.0 / np.sqrt(D_IN))
    b1 = jnp.zeros((HID,), dtype=jnp.float32)
    W2 = jax.random.normal(k4, (HID, D_OUT), dtype=jnp.float32) * (1.0 / np.sqrt(HID))
    b2 = jnp.zeros((D_OUT,), dtype=jnp.float32)
    return {"x": x, "edge_index": edge_index, "W1": W1, "b1": b1, "W2": W2, "b2": b2}


def gcn_norm(edge_index, num_nodes):
    # symmetric normalization with self-loops, as in gcn_norm (normalize=True)
    row = edge_index[0]
    col = edge_index[1]
    loop = jnp.arange(num_nodes, dtype=row.dtype)
    row = jnp.concatenate([row, loop])
    col = jnp.concatenate([col, loop])
    ew = jnp.ones(row.shape[0], dtype=jnp.float32)
    deg = jnp.zeros((num_nodes,), dtype=jnp.float32).at[col].add(ew)
    deg_inv_sqrt = jnp.where(deg > 0, 1.0 / jnp.sqrt(jnp.maximum(deg, 1e-12)), 0.0)
    norm = deg_inv_sqrt[row] * ew * deg_inv_sqrt[col]
    return row, col, norm


def gcn_conv(x, row, col, norm, W, b):
    h = x @ W
    msg = h[row] * norm[:, None]
    out = jnp.zeros((x.shape[0], W.shape[1]), dtype=h.dtype).at[col].add(msg)
    return out + b


def reference(x, edge_index, W1, b1, W2, b2):
    num_nodes = x.shape[0]
    row, col, norm = gcn_norm(edge_index, num_nodes)
    # layer 1: GCNConv(128 -> 16) + relu (dropout is identity in eval mode)
    h = gcn_conv(x, row, col, norm, W1, b1)
    h = jax.nn.relu(h)
    # layer 2: GCNConv(16 -> 128)
    out = gcn_conv(h, row, col, norm, W2, b2)
    return out

if __name__ == "__main__":
    import jax
    _d = setup_inputs()
    print(jax.jit(kernel)(*tuple(_d.values())))

</pallas_src>

<mosaic_0001>
#map = affine_map<(d0, d1) -> (0, 0)>
#map1 = affine_map<(d0, d1) -> (0)>
module attributes {stable_mosaic.version = 14 : i64} {
  func.func @_hist_body(%arg0: i32, %arg1: i32, %arg2: memref<2560x128xi32, #tpu.memory_space<hbm>>, %arg3: memref<20480xf32, #tpu.memory_space<hbm>>, %arg4: memref<80x128xi32, #tpu.memory_space<vmem>>, %arg5: memref<128xf32, #tpu.memory_space<vmem>>, %arg6: memref<640xf32, #tpu.memory_space<vmem>>, %arg7: memref<!tpu.dma_semaphore, #tpu.memory_space<semaphore_mem>>, %arg8: memref<10240xf32, #tpu.memory_space<vmem_shared>>) attributes {dimension_semantics = [#tpu.dimension_semantics<core_parallel>, #tpu.dimension_semantics<subcore_parallel>], iteration_bounds = array<i64: 2, 16>, scalar_prefetch = 0 : i64, scratch_operands = 5 : i64, tpu.core_type = #tpu.core_type<sc_vector_subcore>, window_params = [{transform_indices = #map}, {transform_indices = #map1}]} {
    %mul3A = arith.constant 16 : i32
    %mul3A_0 = arith.muli %arg0, %mul3A : i32
    %add3A = arith.addi %mul3A_0, %arg1 : i32
    %scan3A = arith.constant 0 : i32
    %scan3A_1 = arith.constant 0 : i32
    %scan3A_2 = arith.constant 40 : i32
    %scan3A_3 = arith.addi %scan3A_1, %scan3A_2 : i32
    %scan3A_4 = arith.constant 1 : i32
    %scan3A_5 = scf.for %scan3A_33 = %scan3A_1 to %scan3A_3 step %scan3A_4 iter_args(%scan3A_34 = %scan3A) -> (i32)  : i32 {
      %broadcast_in_dim3A = arith.constant 0.000000e+00 : f32
      %broadcast_in_dim3A_35 = vector.broadcast %broadcast_in_dim3A : f32 to vector<16xf32>
      %mul3A_36 = arith.constant 16 : i32
      %mul3A_37 = arith.muli %scan3A_33, %mul3A_36 : i32
      %swap3A = arith.index_cast %mul3A_37 : i32 to index
      %swap3A_38 = tpu.vector_load %arg6[%swap3A] {strides = array<i32>} : memref<640xf32, #tpu.memory_space<vmem>>, vector<16xf32>,
      %swap3A_39 = vector.shape_cast %swap3A_38 : vector<16xf32> to vector<16xf32>
      %swap3A_40 = vector.shape_cast %broadcast_in_dim3A_35 : vector<16xf32> to vector<16xf32>
      tpu.vector_store %arg6[%swap3A], %swap3A_40 {strides = array<i32>} : memref<640xf32, #tpu.memory_space<vmem>>, vector<16xf32>,
      %scan3A_41 = arith.constant 0 : i32
      scf.yield %scan3A_41 : i32
    }
    %scan3A_6 = arith.constant 40 : i32
    %mul3A_7 = arith.constant 640 : i32
    %mul3A_8 = arith.muli %arg1, %mul3A_7 : i32
    "tpu.region"() ({
      %run_scoped3A = tpu.sem_alloc : memref<!tpu.dma_semaphore, #tpu.memory_space<semaphore_mem>>
      %dma_start3A = tpu.memref_slice %arg8[%mul3A_8] : memref<10240xf32, #tpu.memory_space<vmem_shared>> -> memref<640xf32, #tpu.memory_space<vmem_shared>>
      %dma_start3A_33 = tpu.memref_slice %arg8[%mul3A_8] : memref<10240xf32, #tpu.memory_space<vmem_shared>> -> memref<640xf32, #tpu.memory_space<vmem_shared>>
      tpu.enqueue_dma source(%arg6 : memref<640xf32, #tpu.memory_space<vmem>>) target(%dma_start3A_33 : memref<640xf32, #tpu.memory_space<vmem_shared>>) target_semaphore(%run_scoped3A : memref<!tpu.dma_semaphore, #tpu.memory_space<semaphore_mem>>)
      %dma_wait3A = tpu.memref_slice %arg8[%mul3A_8] : memref<10240xf32, #tpu.memory_space<vmem_shared>> -> memref<640xf32, #tpu.memory_space<vmem_shared>>
      %dma_wait3A_34 = tpu.memref_slice %arg8[%mul3A_8] : memref<10240xf32, #tpu.memory_space<vmem_shared>> -> memref<640xf32, #tpu.memory_space<vmem_shared>>
      tpu.wait_dma2 semaphore(%run_scoped3A : memref<!tpu.dma_semaphore, #tpu.memory_space<semaphore_mem>>) src(%arg6 : memref<640xf32, #tpu.memory_space<vmem>>) dst(%dma_wait3A_34 : memref<640xf32, #tpu.memory_space<vmem_shared>>)
      tpu.yield
    }) : () -> ()
    %scan3A_9 = arith.constant 0 : i32
    %scan3A_10 = arith.constant 0 : i32
    %scan3A_11 = arith.constant 8 : i32
    %scan3A_12 = arith.addi %scan3A_10, %scan3A_11 : i32
    %scan3A_13 = arith.constant 1 : i32
    %scan3A_14 = scf.for %scan3A_33 = %scan3A_10 to %scan3A_12 step %scan3A_13 iter_args(%scan3A_34 = %scan3A_9) -> (i32)  : i32 {
      %broadcast_in_dim3A = arith.constant 1.000000e+00 : f32
      %broadcast_in_dim3A_35 = vector.broadcast %broadcast_in_dim3A : f32 to vector<16xf32>
      %mul3A_36 = arith.constant 16 : i32
      %mul3A_37 = arith.muli %scan3A_33, %mul3A_36 : i32
      %swap3A = arith.index_cast %mul3A_37 : i32 to index
      %swap3A_38 = tpu.vector_load %arg5[%swap3A] {strides = array<i32>} : memref<128xf32, #tpu.memory_space<vmem>>, vector<16xf32>,
      %swap3A_39 = vector.shape_cast %swap3A_38 : vector<16xf32> to vector<16xf32>
      %swap3A_40 = vector.shape_cast %broadcast_in_dim3A_35 : vector<16xf32> to vector<16xf32>
      tpu.vector_store %arg5[%swap3A], %swap3A_40 {strides = array<i32>} : memref<128xf32, #tpu.memory_space<vmem>>, vector<16xf32>,
      %scan3A_41 = arith.constant 0 : i32
      scf.yield %scan3A_41 : i32
    }
    %scan3A_15 = arith.constant 8 : i32
    %mul3A_16 = arith.constant 80 : i32
    %mul3A_17 = arith.muli %add3A, %mul3A_16 : i32
    "tpu.region"() ({
      %run_scoped3A = tpu.sem_alloc : memref<!tpu.dma_semaphore, #tpu.memory_space<semaphore_mem>>
      %dma_start3A = arith.constant 0 : i32
      %dma_start3A_33 = tpu.memref_slice %arg2[%mul3A_17, %dma_start3A] : memref<2560x128xi32, #tpu.memory_space<hbm>> -> memref<80x128xi32, #tpu.memory_space<hbm>>
      %dma_start3A_34 = arith.constant 0 : i32
      %dma_start3A_35 = tpu.memref_slice %arg2[%mul3A_17, %dma_start3A_34] : memref<2560x128xi32, #tpu.memory_space<hbm>> -> memref<80x128xi32, #tpu.memory_space<hbm>>
      tpu.enqueue_dma source(%dma_start3A_35 : memref<80x128xi32, #tpu.memory_space<hbm>>) target(%arg4 : memref<80x128xi32, #tpu.memory_space<vmem>>) target_semaphore(%run_scoped3A : memref<!tpu.dma_semaphore, #tpu.memory_space<semaphore_mem>>)
      %dma_wait3A = arith.constant 0 : i32
      %dma_wait3A_36 = tpu.memref_slice %arg2[%mul3A_17, %dma_wait3A] : memref<2560x128xi32, #tpu.memory_space<hbm>> -> memref<80x128xi32, #tpu.memory_space<hbm>>
      %dma_wait3A_37 = arith.constant 0 : i32
      %dma_wait3A_38 = tpu.memref_slice %arg2[%mul3A_17, %dma_wait3A_37] : memref<2560x128xi32, #tpu.memory_space<hbm>> -> memref<80x128xi32, #tpu.memory_space<hbm>>
      tpu.wait_dma2 semaphore(%run_scoped3A : memref<!tpu.dma_semaphore, #tpu.memory_space<semaphore_mem>>) src(%dma_wait3A_38 : memref<80x128xi32, #tpu.memory_space<hbm>>) dst(%arg4 : memref<80x128xi32, #tpu.memory_space<vmem>>)
      tpu.yield
    }) : () -> ()
    %barrier3A = arith.constant 0 : index
    tpu.barrier barrier_id(%barrier3A)
    %scan3A_18 = arith.constant 0 : i32
    %scan3A_19 = arith.constant 0 : i32
    %scan3A_20 = arith.constant 80 : i32
    %scan3A_21 = arith.addi %scan3A_19, %scan3A_20 : i32
    %scan3A_22 = arith.constant 1 : i32
    %scan3A_23 = scf.for %scan3A_33 = %scan3A_19 to %scan3A_21 step %scan3A_22 iter_args(%scan3A_34 = %scan3A_18) -> (i32)  : i32 {
      "tpu.region"() ({
        %run_scoped3A = tpu.sem_alloc : memref<!tpu.dma_semaphore, #tpu.memory_space<semaphore_mem>>
        %dma_start3A = arith.constant 0 : i32
        %dma_start3A_36 = tpu.memref_slice %arg4[%scan3A_33, %dma_start3A] : memref<80x128xi32, #tpu.memory_space<vmem>> -> memref<1x128xi32, #tpu.memory_space<vmem>>
        %dma_start3A_37 = tpu.memref_squeeze %dma_start3A_36 : memref<1x128xi32, #tpu.memory_space<vmem>> -> memref<128xi32, #tpu.memory_space<vmem>>
        %dma_start3A_38 = arith.constant 0 : i32
        %dma_start3A_39 = tpu.memref_slice %arg8[%dma_start3A_38] : memref<10240xf32, #tpu.memory_space<vmem_shared>> -> memref<10240xf32, #tpu.memory_space<vmem_shared>>
        tpu.enqueue_indirect_dma source(%arg5 : memref<128xf32, #tpu.memory_space<vmem>>) target(%dma_start3A_39 : memref<10240xf32, #tpu.memory_space<vmem_shared>>) offsets(%dma_start3A_37 : memref<128xi32, #tpu.memory_space<vmem>>) semaphore(%run_scoped3A : memref<!tpu.dma_semaphore, #tpu.memory_space<semaphore_mem>>) {add = true}
        %dma_wait3A = arith.constant 0 : i32
        %dma_wait3A_40 = tpu.memref_slice %arg4[%scan3A_33, %dma_wait3A] : memref<80x128xi32, #tpu.memory_space<vmem>> -> memref<1x128xi32, #tpu.memory_space<vmem>>
        %dma_wait3A_41 = tpu.memref_squeeze %dma_wait3A_40 : memref<1x128xi32, #tpu.memory_space<vmem>> -> memref<128xi32, #tpu.memory_space<vmem>>
        %dma_wait3A_42 = arith.constant 0 : i32
        %dma_wait3A_43 = tpu.memref_slice %arg8[%dma_wait3A_42] : memref<10240xf32, #tpu.memory_space<vmem_shared>> -> memref<10240xf32, #tpu.memory_space<vmem_shared>>
        tpu.wait_indirect_dma semaphore(%run_scoped3A : memref<!tpu.dma_semaphore, #tpu.memory_space<semaphore_mem>>) src(%arg5 : memref<128xf32, #tpu.memory_space<vmem>>) dst(%dma_wait3A_43 : memref<10240xf32, #tpu.memory_space<vmem_shared>>)
        tpu.yield
      }) : () -> ()
      %scan3A_35 = arith.constant 0 : i32
      scf.yield %scan3A_35 : i32
    }
    %scan3A_24 = arith.constant 80 : i32
    %barrier3A_25 = arith.constant 0 : index
    tpu.barrier barrier_id(%barrier3A_25)
    %mul3A_26 = arith.constant 640 : i32
    %mul3A_27 = arith.muli %arg1, %mul3A_26 : i32
    "tpu.region"() ({
      %run_scoped3A = tpu.sem_alloc : memref<!tpu.dma_semaphore, #tpu.memory_space<semaphore_mem>>
      %dma_start3A = tpu.memref_slice %arg8[%mul3A_27] : memref<10240xf32, #tpu.memory_space<vmem_shared>> -> memref<640xf32, #tpu.memory_space<vmem_shared>>
      %dma_start3A_33 = tpu.memref_slice %arg8[%mul3A_27] : memref<10240xf32, #tpu.memory_space<vmem_shared>> -> memref<640xf32, #tpu.memory_space<vmem_shared>>
      tpu.enqueue_dma source(%dma_start3A_33 : memref<640xf32, #tpu.memory_space<vmem_shared>>) target(%arg6 : memref<640xf32, #tpu.memory_space<vmem>>) target_semaphore(%run_scoped3A : memref<!tpu.dma_semaphore, #tpu.memory_space<semaphore_mem>>)
      %dma_wait3A = tpu.memref_slice %arg8[%mul3A_27] : memref<10240xf32, #tpu.memory_space<vmem_shared>> -> memref<640xf32, #tpu.memory_space<vmem_shared>>
      %dma_wait3A_34 = tpu.memref_slice %arg8[%mul3A_27] : memref<10240xf32, #tpu.memory_space<vmem_shared>> -> memref<640xf32, #tpu.memory_space<vmem_shared>>
      tpu.wait_dma2 semaphore(%run_scoped3A : memref<!tpu.dma_semaphore, #tpu.memory_space<semaphore_mem>>) src(%dma_wait3A_34 : memref<640xf32, #tpu.memory_space<vmem_shared>>) dst(%arg6 : memref<640xf32, #tpu.memory_space<vmem>>)
      tpu.yield
    }) : () -> ()
    %mul3A_28 = arith.constant 10240 : i32
    %mul3A_29 = arith.muli %arg0, %mul3A_28 : i32
    %mul3A_30 = arith.constant 640 : i32
    %mul3A_31 = arith.muli %arg1, %mul3A_30 : i32
    %add3A_32 = arith.addi %mul3A_29, %mul3A_31 : i32
    "tpu.region"() ({
      %run_scoped3A = tpu.sem_alloc : memref<!tpu.dma_semaphore, #tpu.memory_space<semaphore_mem>>
      %dma_start3A = tpu.memref_slice %arg3[%add3A_32] : memref<20480xf32, #tpu.memory_space<hbm>> -> memref<640xf32, #tpu.memory_space<hbm>>
      %dma_start3A_33 = tpu.memref_slice %arg3[%add3A_32] : memref<20480xf32, #tpu.memory_space<hbm>> -> memref<640xf32, #tpu.memory_space<hbm>>
      tpu.enqueue_dma source(%arg6 : memref<640xf32, #tpu.memory_space<vmem>>) target(%dma_start3A_33 : memref<640xf32, #tpu.memory_space<hbm>>) target_semaphore(%run_scoped3A : memref<!tpu.dma_semaphore, #tpu.memory_space<semaphore_mem>>)
      %dma_wait3A = tpu.memref_slice %arg3[%add3A_32] : memref<20480xf32, #tpu.memory_space<hbm>> -> memref<640xf32, #tpu.memory_space<hbm>>
      %dma_wait3A_34 = tpu.memref_slice %arg3[%add3A_32] : memref<20480xf32, #tpu.memory_space<hbm>> -> memref<640xf32, #tpu.memory_space<hbm>>
      tpu.wait_dma2 semaphore(%run_scoped3A : memref<!tpu.dma_semaphore, #tpu.memory_space<semaphore_mem>>) src(%arg6 : memref<640xf32, #tpu.memory_space<vmem>>) dst(%dma_wait3A_34 : memref<640xf32, #tpu.memory_space<hbm>>)
      tpu.yield
    }) : () -> ()
    return
  }
}

#map = affine_map<(d0, d1) -> (0, 0)>
module attributes {stable_mosaic.version = 14 : i64} {
  func.func @_agg_body(%arg0: i32, %arg1: i32, %arg2: memref<10000x16xf32, #tpu.memory_space<hbm>>, %arg3: memref<2560x128xi32, #tpu.memory_space<hbm>>, %arg4: memref<2560x128xi32, #tpu.memory_space<hbm>>, %arg5: memref<20480x16xf32, #tpu.memory_space<hbm>>, %arg6: memref<80x128xi32, #tpu.memory_space<vmem>>, %arg7: memref<80x128xi32, #tpu.memory_space<vmem>>, %arg8: memref<128x16xf32, #tpu.memory_space<vmem>>, %arg9: memref<128x16xf32, #tpu.memory_space<vmem>>, %arg10: memref<128x16xf32, #tpu.memory_space<vmem>>, %arg11: memref<128x16xf32, #tpu.memory_space<vmem>>, %arg12: memref<640x16xf32, #tpu.memory_space<vmem>>, %arg13: memref<!tpu.dma_semaphore, #tpu.memory_space<semaphore_mem>>, %arg14: memref<!tpu.dma_semaphore, #tpu.memory_space<semaphore_mem>>, %arg15: memref<!tpu.dma_semaphore, #tpu.memory_space<semaphore_mem>>, %arg16: memref<!tpu.dma_semaphore, #tpu.memory_space<semaphore_mem>>, %arg17: memref<10240x16xf32, #tpu.memory_space<vmem_shared>>) attributes {dimension_semantics = [#tpu.dimension_semantics<core_parallel>, #tpu.dimension_semantics<subcore_parallel>], iteration_bounds = array<i64: 2, 16>, scalar_prefetch = 0 : i64, scratch_operands = 12 : i64, tpu.core_type = #tpu.core_type<sc_vector_subcore>, window_params = [{transform_indices = #map}, {transform_indices = #map}, {transform_indices = #map}, {transform_indices = #map}]} {
    %mul3A = arith.constant 16 : i32
    %mul3A_0 = arith.muli %arg0, %mul3A : i32
    %add3A = arith.addi %mul3A_0, %arg1 : i32
    %scan3A = arith.constant 0 : i32
    %scan3A_1 = arith.constant 0 : i32
    %scan3A_2 = arith.constant 640 : i32
    %scan3A_3 = arith.addi %scan3A_1, %scan3A_2 : i32
    %scan3A_4 = arith.constant 1 : i32
    %scan3A_5 = scf.for %scan3A_85 = %scan3A_1 to %scan3A_3 step %scan3A_4 iter_args(%scan3A_86 = %scan3A) -> (i32)  : i32 {
      %broadcast_in_dim3A = arith.constant 0.000000e+00 : f32
      %broadcast_in_dim3A_87 = vector.broadcast %broadcast_in_dim3A : f32 to vector<16xf32>
      %swap3A = arith.index_cast %scan3A_85 : i32 to index
      %swap3A_88 = arith.constant 0 : index
      %swap3A_89 = tpu.vector_load %arg12[%swap3A, %swap3A_88] {strides = array<i32>} : memref<640x16xf32, #tpu.memory_space<vmem>>, vector<1x16xf32>,
      %swap3A_90 = vector.shape_cast %swap3A_89 : vector<1x16xf32> to vector<16xf32>
      %swap3A_91 = vector.shape_cast %broadcast_in_dim3A_87 : vector<16xf32> to vector<1x16xf32>
      tpu.vector_store %arg12[%swap3A, %swap3A_88], %swap3A_91 {strides = array<i32>} : memref<640x16xf32, #tpu.memory_space<vmem>>, vector<1x16xf32>,
      %scan3A_92 = arith.constant 0 : i32
      scf.yield %scan3A_92 : i32
    }
    %scan3A_6 = arith.constant 640 : i32
    %mul3A_7 = arith.constant 640 : i32
    %mul3A_8 = arith.muli %arg1, %mul3A_7 : i32
    "tpu.region"() ({
      %run_scoped3A_85 = tpu.sem_alloc : memref<!tpu.dma_semaphore, #tpu.memory_space<semaphore_mem>>
      %dma_start3A_86 = arith.constant 0 : i32
      %dma_start3A_87 = tpu.memref_slice %arg17[%mul3A_8, %dma_start3A_86] : memref<10240x16xf32, #tpu.memory_space<vmem_shared>> -> memref<640x16xf32, #tpu.memory_space<vmem_shared>>
      %dma_start3A_88 = arith.constant 0 : i32
      %dma_start3A_89 = tpu.memref_slice %arg17[%mul3A_8, %dma_start3A_88] : memref<10240x16xf32, #tpu.memory_space<vmem_shared>> -> memref<640x16xf32, #tpu.memory_space<vmem_shared>>
      tpu.enqueue_dma source(%arg12 : memref<640x16xf32, #tpu.memory_space<vmem>>) target(%dma_start3A_89 : memref<640x16xf32, #tpu.memory_space<vmem_shared>>) target_semaphore(%run_scoped3A_85 : memref<!tpu.dma_semaphore, #tpu.memory_space<semaphore_mem>>)
      %dma_wait3A_90 = arith.constant 0 : i32
      %dma_wait3A_91 = tpu.memref_slice %arg17[%mul3A_8, %dma_wait3A_90] : memref<10240x16xf32, #tpu.memory_space<vmem_shared>> -> memref<640x16xf32, #tpu.memory_space<vmem_shared>>
      %dma_wait3A_92 = arith.constant 0 : i32
      %dma_wait3A_93 = tpu.memref_slice %arg17[%mul3A_8, %dma_wait3A_92] : memref<10240x16xf32, #tpu.memory_space<vmem_shared>> -> memref<640x16xf32, #tpu.memory_space<vmem_shared>>
      tpu.wait_dma2 semaphore(%run_scoped3A_85 : memref<!tpu.dma_semaphore, #tpu.memory_space<semaphore_mem>>) src(%arg12 : memref<640x16xf32, #tpu.memory_space<vmem>>) dst(%dma_wait3A_93 : memref<640x16xf32, #tpu.memory_space<vmem_shared>>)
      tpu.yield
    }) : () -> ()
    %mul3A_9 = arith.constant 80 : i32
    %mul3A_10 = arith.muli %add3A, %mul3A_9 : i32
    "tpu.region"() ({
      %run_scoped3A_85 = tpu.sem_alloc : memref<!tpu.dma_semaphore, #tpu.memory_space<semaphore_mem>>
      %dma_start3A_86 = arith.constant 0 : i32
      %dma_start3A_87 = tpu.memref_slice %arg3[%mul3A_10, %dma_start3A_86] : memref<2560x128xi32, #tpu.memory_space<hbm>> -> memref<80x128xi32, #tpu.memory_space<hbm>>
      %dma_start3A_88 = arith.constant 0 : i32
      %dma_start3A_89 = tpu.memref_slice %arg3[%mul3A_10, %dma_start3A_88] : memref<2560x128xi32, #tpu.memory_space<hbm>> -> memref<80x128xi32, #tpu.memory_space<hbm>>
      tpu.enqueue_dma source(%dma_start3A_89 : memref<80x128xi32, #tpu.memory_space<hbm>>) target(%arg6 : memref<80x128xi32, #tpu.memory_space<vmem>>) target_semaphore(%run_scoped3A_85 : memref<!tpu.dma_semaphore, #tpu.memory_space<semaphore_mem>>)
      %dma_wait3A_90 = arith.constant 0 : i32
      %dma_wait3A_91 = tpu.memref_slice %arg3[%mul3A_10, %dma_wait3A_90] : memref<2560x128xi32, #tpu.memory_space<hbm>> -> memref<80x128xi32, #tpu.memory_space<hbm>>
      %dma_wait3A_92 = arith.constant 0 : i32
      %dma_wait3A_93 = tpu.memref_slice %arg3[%mul3A_10, %dma_wait3A_92] : memref<2560x128xi32, #tpu.memory_space<hbm>> -> memref<80x128xi32, #tpu.memory_space<hbm>>
      tpu.wait_dma2 semaphore(%run_scoped3A_85 : memref<!tpu.dma_semaphore, #tpu.memory_space<semaphore_mem>>) src(%dma_wait3A_93 : memref<80x128xi32, #tpu.memory_space<hbm>>) dst(%arg6 : memref<80x128xi32, #tpu.memory_space<vmem>>)
      tpu.yield
    }) : () -> ()
    %mul3A_11 = arith.constant 80 : i32
    %mul3A_12 = arith.muli %add3A, %mul3A_11 : i32
    "tpu.region"() ({
      %run_scoped3A_85 = tpu.sem_alloc : memref<!tpu.dma_semaphore, #tpu.memory_space<semaphore_mem>>
      %dma_start3A_86 = arith.constant 0 : i32
      %dma_start3A_87 = tpu.memref_slice %arg4[%mul3A_12, %dma_start3A_86] : memref<2560x128xi32, #tpu.memory_space<hbm>> -> memref<80x128xi32, #tpu.memory_space<hbm>>
      %dma_start3A_88 = arith.constant 0 : i32
      %dma_start3A_89 = tpu.memref_slice %arg4[%mul3A_12, %dma_start3A_88] : memref<2560x128xi32, #tpu.memory_space<hbm>> -> memref<80x128xi32, #tpu.memory_space<hbm>>
      tpu.enqueue_dma source(%dma_start3A_89 : memref<80x128xi32, #tpu.memory_space<hbm>>) target(%arg7 : memref<80x128xi32, #tpu.memory_space<vmem>>) target_semaphore(%run_scoped3A_85 : memref<!tpu.dma_semaphore, #tpu.memory_space<semaphore_mem>>)
      %dma_wait3A_90 = arith.constant 0 : i32
      %dma_wait3A_91 = tpu.memref_slice %arg4[%mul3A_12, %dma_wait3A_90] : memref<2560x128xi32, #tpu.memory_space<hbm>> -> memref<80x128xi32, #tpu.memory_space<hbm>>
      %dma_wait3A_92 = arith.constant 0 : i32
      %dma_wait3A_93 = tpu.memref_slice %arg4[%mul3A_12, %dma_wait3A_92] : memref<2560x128xi32, #tpu.memory_space<hbm>> -> memref<80x128xi32, #tpu.memory_space<hbm>>
      tpu.wait_dma2 semaphore(%run_scoped3A_85 : memref<!tpu.dma_semaphore, #tpu.memory_space<semaphore_mem>>) src(%dma_wait3A_93 : memref<80x128xi32, #tpu.memory_space<hbm>>) dst(%arg7 : memref<80x128xi32, #tpu.memory_space<vmem>>)
      tpu.yield
    }) : () -> ()
    %barrier3A = arith.constant 0 : index
    tpu.barrier barrier_id(%barrier3A)
    %dma_start3A = arith.constant 0 : i32
    %dma_start3A_13 = arith.constant 0 : i32
    %dma_start3A_14 = tpu.memref_slice %arg6[%dma_start3A, %dma_start3A_13] : memref<80x128xi32, #tpu.memory_space<vmem>> -> memref<1x128xi32, #tpu.memory_space<vmem>>
    %dma_start3A_15 = tpu.memref_squeeze %dma_start3A_14 : memref<1x128xi32, #tpu.memory_space<vmem>> -> memref<128xi32, #tpu.memory_space<vmem>>
    %dma_start3A_16 = arith.constant 0 : i32
    %dma_start3A_17 = arith.constant 0 : i32
    %dma_start3A_18 = tpu.memref_slice %arg2[%dma_start3A_16, %dma_start3A_17] : memref<10000x16xf32, #tpu.memory_space<hbm>> -> memref<10000x16xf32, #tpu.memory_space<hbm>>
    tpu.enqueue_indirect_dma source(%dma_start3A_18 : memref<10000x16xf32, #tpu.memory_space<hbm>>) target(%arg8 : memref<128x16xf32, #tpu.memory_space<vmem>>) offsets(%dma_start3A_15 : memref<128xi32, #tpu.memory_space<vmem>>) semaphore(%arg13 : memref<!tpu.dma_semaphore, #tpu.memory_space<semaphore_mem>>)
    %dma_start3A_19 = arith.constant 1 : i32
    %dma_start3A_20 = arith.constant 0 : i32
    %dma_start3A_21 = tpu.memref_slice %arg6[%dma_start3A_19, %dma_start3A_20] : memref<80x128xi32, #tpu.memory_space<vmem>> -> memref<1x128xi32, #tpu.memory_space<vmem>>
    %dma_start3A_22 = tpu.memref_squeeze %dma_start3A_21 : memref<1x128xi32, #tpu.memory_space<vmem>> -> memref<128xi32, #tpu.memory_space<vmem>>
    %dma_start3A_23 = arith.constant 0 : i32
    %dma_start3A_24 = arith.constant 0 : i32
    %dma_start3A_25 = tpu.memref_slice %arg2[%dma_start3A_23, %dma_start3A_24] : memref<10000x16xf32, #tpu.memory_space<hbm>> -> memref<10000x16xf32, #tpu.memory_space<hbm>>
    tpu.enqueue_indirect_dma source(%dma_start3A_25 : memref<10000x16xf32, #tpu.memory_space<hbm>>) target(%arg9 : memref<128x16xf32, #tpu.memory_space<vmem>>) offsets(%dma_start3A_22 : memref<128xi32, #tpu.memory_space<vmem>>) semaphore(%arg14 : memref<!tpu.dma_semaphore, #tpu.memory_space<semaphore_mem>>)
    %dma_start3A_26 = arith.constant 2 : i32
    %dma_start3A_27 = arith.constant 0 : i32
    %dma_start3A_28 = tpu.memref_slice %arg6[%dma_start3A_26, %dma_start3A_27] : memref<80x128xi32, #tpu.memory_space<vmem>> -> memref<1x128xi32, #tpu.memory_space<vmem>>
    %dma_start3A_29 = tpu.memref_squeeze %dma_start3A_28 : memref<1x128xi32, #tpu.memory_space<vmem>> -> memref<128xi32, #tpu.memory_space<vmem>>
    %dma_start3A_30 = arith.constant 0 : i32
    %dma_start3A_31 = arith.constant 0 : i32
    %dma_start3A_32 = tpu.memref_slice %arg2[%dma_start3A_30, %dma_start3A_31] : memref<10000x16xf32, #tpu.memory_space<hbm>> -> memref<10000x16xf32, #tpu.memory_space<hbm>>
    tpu.enqueue_indirect_dma source(%dma_start3A_32 : memref<10000x16xf32, #tpu.memory_space<hbm>>) target(%arg10 : memref<128x16xf32, #tpu.memory_space<vmem>>) offsets(%dma_start3A_29 : memref<128xi32, #tpu.memory_space<vmem>>) semaphore(%arg15 : memref<!tpu.dma_semaphore, #tpu.memory_space<semaphore_mem>>)
    %dma_start3A_33 = arith.constant 3 : i32
    %dma_start3A_34 = arith.constant 0 : i32
    %dma_start3A_35 = tpu.memref_slice %arg6[%dma_start3A_33, %dma_start3A_34] : memref<80x128xi32, #tpu.memory_space<vmem>> -> memref<1x128xi32, #tpu.memory_space<vmem>>
    %dma_start3A_36 = tpu.memref_squeeze %dma_start3A_35 : memref<1x128xi32, #tpu.memory_space<vmem>> -> memref<128xi32, #tpu.memory_space<vmem>>
    %dma_start3A_37 = arith.constant 0 : i32
    %dma_start3A_38 = arith.constant 0 : i32
    %dma_start3A_39 = tpu.memref_slice %arg2[%dma_start3A_37, %dma_start3A_38] : memref<10000x16xf32, #tpu.memory_space<hbm>> -> memref<10000x16xf32, #tpu.memory_space<hbm>>
    tpu.enqueue_indirect_dma source(%dma_start3A_39 : memref<10000x16xf32, #tpu.memory_space<hbm>>) target(%arg11 : memref<128x16xf32, #tpu.memory_space<vmem>>) offsets(%dma_start3A_36 : memref<128xi32, #tpu.memory_space<vmem>>) semaphore(%arg16 : memref<!tpu.dma_semaphore, #tpu.memory_space<semaphore_mem>>)
    %scan3A_40 = arith.constant 0 : i32
    %scan3A_41 = arith.constant 0 : i32
    %scan3A_42 = arith.constant 19 : i32
    %scan3A_43 = arith.addi %scan3A_41, %scan3A_42 : i32
    %scan3A_44 = arith.constant 1 : i32
    %scan3A_45 = scf.for %scan3A_85 = %scan3A_41 to %scan3A_43 step %scan3A_44 iter_args(%scan3A_86 = %scan3A_40) -> (i32)  : i32 {
      %mul3A_87 = arith.constant 4 : i32
      %mul3A_88 = arith.muli %mul3A_87, %scan3A_85 : i32
      %add3A_89 = arith.constant 0 : i32
      %add3A_90 = arith.addi %mul3A_88, %add3A_89 : i32
      %dma_wait3A_91 = arith.constant 0 : i32
      %dma_wait3A_92 = tpu.memref_slice %arg6[%add3A_90, %dma_wait3A_91] : memref<80x128xi32, #tpu.memory_space<vmem>> -> memref<1x128xi32, #tpu.memory_space<vmem>>
      %dma_wait3A_93 = tpu.memref_squeeze %dma_wait3A_92 : memref<1x128xi32, #tpu.memory_space<vmem>> -> memref<128xi32, #tpu.memory_space<vmem>>
      %dma_wait3A_94 = arith.constant 0 : i32
      %dma_wait3A_95 = arith.constant 0 : i32
      %dma_wait3A_96 = tpu.memref_slice %arg2[%dma_wait3A_94, %dma_wait3A_95] : memref<10000x16xf32, #tpu.memory_space<hbm>> -> memref<10000x16xf32, #tpu.memory_space<hbm>>
      tpu.wait_indirect_dma semaphore(%arg13 : memref<!tpu.dma_semaphore, #tpu.memory_space<semaphore_mem>>) src(%dma_wait3A_96 : memref<10000x16xf32, #tpu.memory_space<hbm>>) dst(%arg8 : memref<128x16xf32, #tpu.memory_space<vmem>>)
      "tpu.region"() ({
        %run_scoped3A_160 = tpu.sem_alloc : memref<!tpu.dma_semaphore, #tpu.memory_space<semaphore_mem>>
        %dma_start3A_161 = arith.constant 0 : i32
        %dma_start3A_162 = tpu.memref_slice %arg7[%add3A_90, %dma_start3A_161] : memref<80x128xi32, #tpu.memory_space<vmem>> -> memref<1x128xi32, #tpu.memory_space<vmem>>
        %dma_start3A_163 = tpu.memref_squeeze %dma_start3A_162 : memref<1x128xi32, #tpu.memory_space<vmem>> -> memref<128xi32, #tpu.memory_space<vmem>>
        %dma_start3A_164 = arith.constant 0 : i32
        %dma_start3A_165 = arith.constant 0 : i32
        %dma_start3A_166 = tpu.memref_slice %arg17[%dma_start3A_164, %dma_start3A_165] : memref<10240x16xf32, #tpu.memory_space<vmem_shared>> -> memref<10240x16xf32, #tpu.memory_space<vmem_shared>>
        tpu.enqueue_indirect_dma source(%arg8 : memref<128x16xf32, #tpu.memory_space<vmem>>) target(%dma_start3A_166 : memref<10240x16xf32, #tpu.memory_space<vmem_shared>>) offsets(%dma_start3A_163 : memref<128xi32, #tpu.memory_space<vmem>>) semaphore(%run_scoped3A_160 : memref<!tpu.dma_semaphore, #tpu.memory_space<semaphore_mem>>) {add = true}
        %dma_wait3A_167 = arith.constant 0 : i32
        %dma_wait3A_168 = tpu.memref_slice %arg7[%add3A_90, %dma_wait3A_167] : memref<80x128xi32, #tpu.memory_space<vmem>> -> memref<1x128xi32, #tpu.memory_space<vmem>>
        %dma_wait3A_169 = tpu.memref_squeeze %dma_wait3A_168 : memref<1x128xi32, #tpu.memory_space<vmem>> -> memref<128xi32, #tpu.memory_space<vmem>>
        %dma_wait3A_170 = arith.constant 0 : i32
        %dma_wait3A_171 = arith.constant 0 : i32
        %dma_wait3A_172 = tpu.memref_slice %arg17[%dma_wait3A_170, %dma_wait3A_171] : memref<10240x16xf32, #tpu.memory_space<vmem_shared>> -> memref<10240x16xf32, #tpu.memory_space<vmem_shared>>
        tpu.wait_indirect_dma semaphore(%run_scoped3A_160 : memref<!tpu.dma_semaphore, #tpu.memory_space<semaphore_mem>>) src(%arg8 : memref<128x16xf32, #tpu.memory_space<vmem>>) dst(%dma_wait3A_172 : memref<10240x16xf32, #tpu.memory_space<vmem_shared>>)
        tpu.yield
      }) : () -> ()
      %add3A_97 = arith.constant 4 : i32
      %add3A_98 = arith.addi %add3A_90, %add3A_97 : i32
      %dma_start3A_99 = arith.constant 0 : i32
      %dma_start3A_100 = tpu.memref_slice %arg6[%add3A_98, %dma_start3A_99] : memref<80x128xi32, #tpu.memory_space<vmem>> -> memref<1x128xi32, #tpu.memory_space<vmem>>
      %dma_start3A_101 = tpu.memref_squeeze %dma_start3A_100 : memref<1x128xi32, #tpu.memory_space<vmem>> -> memref<128xi32, #tpu.memory_space<vmem>>
      %dma_start3A_102 = arith.constant 0 : i32
      %dma_start3A_103 = arith.constant 0 : i32
      %dma_start3A_104 = tpu.memref_slice %arg2[%dma_start3A_102, %dma_start3A_103] : memref<10000x16xf32, #tpu.memory_space<hbm>> -> memref<10000x16xf32, #tpu.memory_space<hbm>>
      tpu.enqueue_indirect_dma source(%dma_start3A_104 : memref<10000x16xf32, #tpu.memory_space<hbm>>) target(%arg8 : memref<128x16xf32, #tpu.memory_space<vmem>>) offsets(%dma_start3A_101 : memref<128xi32, #tpu.memory_space<vmem>>) semaphore(%arg13 : memref<!tpu.dma_semaphore, #tpu.memory_space<semaphore_mem>>)
      %mul3A_105 = arith.constant 4 : i32
      %mul3A_106 = arith.muli %mul3A_105, %scan3A_85 : i32
      %add3A_107 = arith.constant 1 : i32
      %add3A_108 = arith.addi %mul3A_106, %add3A_107 : i32
      %dma_wait3A_109 = arith.constant 0 : i32
      %dma_wait3A_110 = tpu.memref_slice %arg6[%add3A_108, %dma_wait3A_109] : memref<80x128xi32, #tpu.memory_space<vmem>> -> memref<1x128xi32, #tpu.memory_space<vmem>>
      %dma_wait3A_111 = tpu.memref_squeeze %dma_wait3A_110 : memref<1x128xi32, #tpu.memory_space<vmem>> -> memref<128xi32, #tpu.memory_space<vmem>>
      %dma_wait3A_112 = arith.constant 0 : i32
      %dma_wait3A_113 = arith.constant 0 : i32
      %dma_wait3A_114 = tpu.memref_slice %arg2[%dma_wait3A_112, %dma_wait3A_113] : memref<10000x16xf32, #tpu.memory_space<hbm>> -> memref<10000x16xf32, #tpu.memory_space<hbm>>
      tpu.wait_indirect_dma semaphore(%arg14 : memref<!tpu.dma_semaphore, #tpu.memory_space<semaphore_mem>>) src(%dma_wait3A_114 : memref<10000x16xf32, #tpu.memory_space<hbm>>) dst(%arg9 : memref<128x16xf32, #tpu.memory_space<vmem>>)
      "tpu.region"() ({
        %run_scoped3A_160 = tpu.sem_alloc : memref<!tpu.dma_semaphore, #tpu.memory_space<semaphore_mem>>
        %dma_start3A_161 = arith.constant 0 : i32
        %dma_start3A_162 = tpu.memref_slice %arg7[%add3A_108, %dma_start3A_161] : memref<80x128xi32, #tpu.memory_space<vmem>> -> memref<1x128xi32, #tpu.memory_space<vmem>>
        %dma_start3A_163 = tpu.memref_squeeze %dma_start3A_162 : memref<1x128xi32, #tpu.memory_space<vmem>> -> memref<128xi32, #tpu.memory_space<vmem>>
        %dma_start3A_164 = arith.constant 0 : i32
        %dma_start3A_165 = arith.constant 0 : i32
        %dma_start3A_166 = tpu.memref_slice %arg17[%dma_start3A_164, %dma_start3A_165] : memref<10240x16xf32, #tpu.memory_space<vmem_shared>> -> memref<10240x16xf32, #tpu.memory_space<vmem_shared>>
        tpu.enqueue_indirect_dma source(%arg9 : memref<128x16xf32, #tpu.memory_space<vmem>>) target(%dma_start3A_166 : memref<10240x16xf32, #tpu.memory_space<vmem_shared>>) offsets(%dma_start3A_163 : memref<128xi32, #tpu.memory_space<vmem>>) semaphore(%run_scoped3A_160 : memref<!tpu.dma_semaphore, #tpu.memory_space<semaphore_mem>>) {add = true}
        %dma_wait3A_167 = arith.constant 0 : i32
        %dma_wait3A_168 = tpu.memref_slice %arg7[%add3A_108, %dma_wait3A_167] : memref<80x128xi32, #tpu.memory_space<vmem>> -> memref<1x128xi32, #tpu.memory_space<vmem>>
        %dma_wait3A_169 = tpu.memref_squeeze %dma_wait3A_168 : memref<1x128xi32, #tpu.memory_space<vmem>> -> memref<128xi32, #tpu.memory_space<vmem>>
        %dma_wait3A_170 = arith.constant 0 : i32
        %dma_wait3A_171 = arith.constant 0 : i32
        %dma_wait3A_172 = tpu.memref_slice %arg17[%dma_wait3A_170, %dma_wait3A_171] : memref<10240x16xf32, #tpu.memory_space<vmem_shared>> -> memref<10240x16xf32, #tpu.memory_space<vmem_shared>>
        tpu.wait_indirect_dma semaphore(%run_scoped3A_160 : memref<!tpu.dma_semaphore, #tpu.memory_space<semaphore_mem>>) src(%arg9 : memref<128x16xf32, #tpu.memory_space<vmem>>) dst(%dma_wait3A_172 : memref<10240x16xf32, #tpu.memory_space<vmem_shared>>)
        tpu.yield
      }) : () -> ()
      %add3A_115 = arith.constant 4 : i32
      %add3A_116 = arith.addi %add3A_108, %add3A_115 : i32
      %dma_start3A_117 = arith.constant 0 : i32
      %dma_start3A_118 = tpu.memref_slice %arg6[%add3A_116, %dma_start3A_117] : memref<80x128xi32, #tpu.memory_space<vmem>> -> memref<1x128xi32, #tpu.memory_space<vmem>>
      %dma_start3A_119 = tpu.memref_squeeze %dma_start3A_118 : memref<1x128xi32, #tpu.memory_space<vmem>> -> memref<128xi32, #tpu.memory_space<vmem>>
      %dma_start3A_120 = arith.constant 0 : i32
      %dma_start3A_121 = arith.constant 0 : i32
      %dma_start3A_122 = tpu.memref_slice %arg2[%dma_start3A_120, %dma_start3A_121] : memref<10000x16xf32, #tpu.memory_space<hbm>> -> memref<10000x16xf32, #tpu.memory_space<hbm>>
      tpu.enqueue_indirect_dma source(%dma_start3A_122 : memref<10000x16xf32, #tpu.memory_space<hbm>>) target(%arg9 : memref<128x16xf32, #tpu.memory_space<vmem>>) offsets(%dma_start3A_119 : memref<128xi32, #tpu.memory_space<vmem>>) semaphore(%arg14 : memref<!tpu.dma_semaphore, #tpu.memory_space<semaphore_mem>>)
      %mul3A_123 = arith.constant 4 : i32
      %mul3A_124 = arith.muli %mul3A_123, %scan3A_85 : i32
      %add3A_125 = arith.constant 2 : i32
      %add3A_126 = arith.addi %mul3A_124, %add3A_125 : i32
      %dma_wait3A_127 = arith.constant 0 : i32
      %dma_wait3A_128 = tpu.memref_slice %arg6[%add3A_126, %dma_wait3A_127] : memref<80x128xi32, #tpu.memory_space<vmem>> -> memref<1x128xi32, #tpu.memory_space<vmem>>
      %dma_wait3A_129 = tpu.memref_squeeze %dma_wait3A_128 : memref<1x128xi32, #tpu.memory_space<vmem>> -> memref<128xi32, #tpu.memory_space<vmem>>
      %dma_wait3A_130 = arith.constant 0 : i32
      %dma_wait3A_131 = arith.constant 0 : i32
      %dma_wait3A_132 = tpu.memref_slice %arg2[%dma_wait3A_130, %dma_wait3A_131] : memref<10000x16xf32, #tpu.memory_space<hbm>> -> memref<10000x16xf32, #tpu.memory_space<hbm>>
      tpu.wait_indirect_dma semaphore(%arg15 : memref<!tpu.dma_semaphore, #tpu.memory_space<semaphore_mem>>) src(%dma_wait3A_132 : memref<10000x16xf32, #tpu.memory_space<hbm>>) dst(%arg10 : memref<128x16xf32, #tpu.memory_space<vmem>>)
      "tpu.region"() ({
        %run_scoped3A_160 = tpu.sem_alloc : memref<!tpu.dma_semaphore, #tpu.memory_space<semaphore_mem>>
        %dma_start3A_161 = arith.constant 0 : i32
        %dma_start3A_162 = tpu.memref_slice %arg7[%add3A_126, %dma_start3A_161] : memref<80x128xi32, #tpu.memory_space<vmem>> -> memref<1x128xi32, #tpu.memory_space<vmem>>
        %dma_start3A_163 = tpu.memref_squeeze %dma_start3A_162 : memref<1x128xi32, #tpu.memory_space<vmem>> -> memref<128xi32, #tpu.memory_space<vmem>>
        %dma_start3A_164 = arith.constant 0 : i32
        %dma_start3A_165 = arith.constant 0 : i32
        %dma_start3A_166 = tpu.memref_slice %arg17[%dma_start3A_164, %dma_start3A_165] : memref<10240x16xf32, #tpu.memory_space<vmem_shared>> -> memref<10240x16xf32, #tpu.memory_space<vmem_shared>>
        tpu.enqueue_indirect_dma source(%arg10 : memref<128x16xf32, #tpu.memory_space<vmem>>) target(%dma_start3A_166 : memref<10240x16xf32, #tpu.memory_space<vmem_shared>>) offsets(%dma_start3A_163 : memref<128xi32, #tpu.memory_space<vmem>>) semaphore(%run_scoped3A_160 : memref<!tpu.dma_semaphore, #tpu.memory_space<semaphore_mem>>) {add = true}
        %dma_wait3A_167 = arith.constant 0 : i32
        %dma_wait3A_168 = tpu.memref_slice %arg7[%add3A_126, %dma_wait3A_167] : memref<80x128xi32, #tpu.memory_space<vmem>> -> memref<1x128xi32, #tpu.memory_space<vmem>>
        %dma_wait3A_169 = tpu.memref_squeeze %dma_wait3A_168 : memref<1x128xi32, #tpu.memory_space<vmem>> -> memref<128xi32, #tpu.memory_space<vmem>>
        %dma_wait3A_170 = arith.constant 0 : i32
        %dma_wait3A_171 = arith.constant 0 : i32
        %dma_wait3A_172 = tpu.memref_slice %arg17[%dma_wait3A_170, %dma_wait3A_171] : memref<10240x16xf32, #tpu.memory_space<vmem_shared>> -> memref<10240x16xf32, #tpu.memory_space<vmem_shared>>
        tpu.wait_indirect_dma semaphore(%run_scoped3A_160 : memref<!tpu.dma_semaphore, #tpu.memory_space<semaphore_mem>>) src(%arg10 : memref<128x16xf32, #tpu.memory_space<vmem>>) dst(%dma_wait3A_172 : memref<10240x16xf32, #tpu.memory_space<vmem_shared>>)
        tpu.yield
      }) : () -> ()
      %add3A_133 = arith.constant 4 : i32
      %add3A_134 = arith.addi %add3A_126, %add3A_133 : i32
      %dma_start3A_135 = arith.constant 0 : i32
      %dma_start3A_136 = tpu.memref_slice %arg6[%add3A_134, %dma_start3A_135] : memref<80x128xi32, #tpu.memory_space<vmem>> -> memref<1x128xi32, #tpu.memory_space<vmem>>
      %dma_start3A_137 = tpu.memref_squeeze %dma_start3A_136 : memref<1x128xi32, #tpu.memory_space<vmem>> -> memref<128xi32, #tpu.memory_space<vmem>>
      %dma_start3A_138 = arith.constant 0 : i32
      %dma_start3A_139 = arith.constant 0 : i32
      %dma_start3A_140 = tpu.memref_slice %arg2[%dma_start3A_138, %dma_start3A_139] : memref<10000x16xf32, #tpu.memory_space<hbm>> -> memref<10000x16xf32, #tpu.memory_space<hbm>>
      tpu.enqueue_indirect_dma source(%dma_start3A_140 : memref<10000x16xf32, #tpu.memory_space<hbm>>) target(%arg10 : memref<128x16xf32, #tpu.memory_space<vmem>>) offsets(%dma_start3A_137 : memref<128xi32, #tpu.memory_space<vmem>>) semaphore(%arg15 : memref<!tpu.dma_semaphore, #tpu.memory_space<semaphore_mem>>)
      %mul3A_141 = arith.constant 4 : i32
      %mul3A_142 = arith.muli %mul3A_141, %scan3A_85 : i32
      %add3A_143 = arith.constant 3 : i32
      %add3A_144 = arith.addi %mul3A_142, %add3A_143 : i32
      %dma_wait3A_145 = arith.constant 0 : i32
      %dma_wait3A_146 = tpu.memref_slice %arg6[%add3A_144, %dma_wait3A_145] : memref<80x128xi32, #tpu.memory_space<vmem>> -> memref<1x128xi32, #tpu.memory_space<vmem>>
      %dma_wait3A_147 = tpu.memref_squeeze %dma_wait3A_146 : memref<1x128xi32, #tpu.memory_space<vmem>> -> memref<128xi32, #tpu.memory_space<vmem>>
      %dma_wait3A_148 = arith.constant 0 : i32
      %dma_wait3A_149 = arith.constant 0 : i32
      %dma_wait3A_150 = tpu.memref_slice %arg2[%dma_wait3A_148, %dma_wait3A_149] : memref<10000x16xf32, #tpu.memory_space<hbm>> -> memref<10000x16xf32, #tpu.memory_space<hbm>>
      tpu.wait_indirect_dma semaphore(%arg16 : memref<!tpu.dma_semaphore, #tpu.memory_space<semaphore_mem>>) src(%dma_wait3A_150 : memref<10000x16xf32, #tpu.memory_space<hbm>>) dst(%arg11 : memref<128x16xf32, #tpu.memory_space<vmem>>)
      "tpu.region"() ({
        %run_scoped3A_160 = tpu.sem_alloc : memref<!tpu.dma_semaphore, #tpu.memory_space<semaphore_mem>>
        %dma_start3A_161 = arith.constant 0 : i32
        %dma_start3A_162 = tpu.memref_slice %arg7[%add3A_144, %dma_start3A_161] : memref<80x128xi32, #tpu.memory_space<vmem>> -> memref<1x128xi32, #tpu.memory_space<vmem>>
        %dma_start3A_163 = tpu.memref_squeeze %dma_start3A_162 : memref<1x128xi32, #tpu.memory_space<vmem>> -> memref<128xi32, #tpu.memory_space<vmem>>
        %dma_start3A_164 = arith.constant 0 : i32
        %dma_start3A_165 = arith.constant 0 : i32
        %dma_start3A_166 = tpu.memref_slice %arg17[%dma_start3A_164, %dma_start3A_165] : memref<10240x16xf32, #tpu.memory_space<vmem_shared>> -> memref<10240x16xf32, #tpu.memory_space<vmem_shared>>
        tpu.enqueue_indirect_dma source(%arg11 : memref<128x16xf32, #tpu.memory_space<vmem>>) target(%dma_start3A_166 : memref<10240x16xf32, #tpu.memory_space<vmem_shared>>) offsets(%dma_start3A_163 : memref<128xi32, #tpu.memory_space<vmem>>) semaphore(%run_scoped3A_160 : memref<!tpu.dma_semaphore, #tpu.memory_space<semaphore_mem>>) {add = true}
        %dma_wait3A_167 = arith.constant 0 : i32
        %dma_wait3A_168 = tpu.memref_slice %arg7[%add3A_144, %dma_wait3A_167] : memref<80x128xi32, #tpu.memory_space<vmem>> -> memref<1x128xi32, #tpu.memory_space<vmem>>
        %dma_wait3A_169 = tpu.memref_squeeze %dma_wait3A_168 : memref<1x128xi32, #tpu.memory_space<vmem>> -> memref<128xi32, #tpu.memory_space<vmem>>
        %dma_wait3A_170 = arith.constant 0 : i32
        %dma_wait3A_171 = arith.constant 0 : i32
        %dma_wait3A_172 = tpu.memref_slice %arg17[%dma_wait3A_170, %dma_wait3A_171] : memref<10240x16xf32, #tpu.memory_space<vmem_shared>> -> memref<10240x16xf32, #tpu.memory_space<vmem_shared>>
        tpu.wait_indirect_dma semaphore(%run_scoped3A_160 : memref<!tpu.dma_semaphore, #tpu.memory_space<semaphore_mem>>) src(%arg11 : memref<128x16xf32, #tpu.memory_space<vmem>>) dst(%dma_wait3A_172 : memref<10240x16xf32, #tpu.memory_space<vmem_shared>>)
        tpu.yield
      }) : () -> ()
      %add3A_151 = arith.constant 4 : i32
      %add3A_152 = arith.addi %add3A_144, %add3A_151 : i32
      %dma_start3A_153 = arith.constant 0 : i32
      %dma_start3A_154 = tpu.memref_slice %arg6[%add3A_152, %dma_start3A_153] : memref<80x128xi32, #tpu.memory_space<vmem>> -> memref<1x128xi32, #tpu.memory_space<vmem>>
      %dma_start3A_155 = tpu.memref_squeeze %dma_start3A_154 : memref<1x128xi32, #tpu.memory_space<vmem>> -> memref<128xi32, #tpu.memory_space<vmem>>
      %dma_start3A_156 = arith.constant 0 : i32
      %dma_start3A_157 = arith.constant 0 : i32
      %dma_start3A_158 = tpu.memref_slice %arg2[%dma_start3A_156, %dma_start3A_157] : memref<10000x16xf32, #tpu.memory_space<hbm>> -> memref<10000x16xf32, #tpu.memory_space<hbm>>
      tpu.enqueue_indirect_dma source(%dma_start3A_158 : memref<10000x16xf32, #tpu.memory_space<hbm>>) target(%arg11 : memref<128x16xf32, #tpu.memory_space<vmem>>) offsets(%dma_start3A_155 : memref<128xi32, #tpu.memory_space<vmem>>) semaphore(%arg16 : memref<!tpu.dma_semaphore, #tpu.memory_space<semaphore_mem>>)
      %scan3A_159 = arith.constant 0 : i32
      scf.yield %scan3A_159 : i32
    }
    %scan3A_46 = arith.constant 19 : i32
    %dma_wait3A = arith.constant 76 : i32
    %dma_wait3A_47 = arith.constant 0 : i32
    %dma_wait3A_48 = tpu.memref_slice %arg6[%dma_wait3A, %dma_wait3A_47] : memref<80x128xi32, #tpu.memory_space<vmem>> -> memref<1x128xi32, #tpu.memory_space<vmem>>
    %dma_wait3A_49 = tpu.memref_squeeze %dma_wait3A_48 : memref<1x128xi32, #tpu.memory_space<vmem>> -> memref<128xi32, #tpu.memory_space<vmem>>
    %dma_wait3A_50 = arith.constant 0 : i32
    %dma_wait3A_51 = arith.constant 0 : i32
    %dma_wait3A_52 = tpu.memref_slice %arg2[%dma_wait3A_50, %dma_wait3A_51] : memref<10000x16xf32, #tpu.memory_space<hbm>> -> memref<10000x16xf32, #tpu.memory_space<hbm>>
    tpu.wait_indirect_dma semaphore(%arg13 : memref<!tpu.dma_semaphore, #tpu.memory_space<semaphore_mem>>) src(%dma_wait3A_52 : memref<10000x16xf32, #tpu.memory_space<hbm>>) dst(%arg8 : memref<128x16xf32, #tpu.memory_space<vmem>>)
    %run_scoped3A = arith.constant 76 : i32
    "tpu.region"() ({
      %run_scoped3A_85 = tpu.sem_alloc : memref<!tpu.dma_semaphore, #tpu.memory_space<semaphore_mem>>
      %dma_start3A_86 = arith.constant 0 : i32
      %dma_start3A_87 = tpu.memref_slice %arg7[%run_scoped3A, %dma_start3A_86] : memref<80x128xi32, #tpu.memory_space<vmem>> -> memref<1x128xi32, #tpu.memory_space<vmem>>
      %dma_start3A_88 = tpu.memref_squeeze %dma_start3A_87 : memref<1x128xi32, #tpu.memory_space<vmem>> -> memref<128xi32, #tpu.memory_space<vmem>>
      %dma_start3A_89 = arith.constant 0 : i32
      %dma_start3A_90 = arith.constant 0 : i32
      %dma_start3A_91 = tpu.memref_slice %arg17[%dma_start3A_89, %dma_start3A_90] : memref<10240x16xf32, #tpu.memory_space<vmem_shared>> -> memref<10240x16xf32, #tpu.memory_space<vmem_shared>>
      tpu.enqueue_indirect_dma source(%arg8 : memref<128x16xf32, #tpu.memory_space<vmem>>) target(%dma_start3A_91 : memref<10240x16xf32, #tpu.memory_space<vmem_shared>>) offsets(%dma_start3A_88 : memref<128xi32, #tpu.memory_space<vmem>>) semaphore(%run_scoped3A_85 : memref<!tpu.dma_semaphore, #tpu.memory_space<semaphore_mem>>) {add = true}
      %dma_wait3A_92 = arith.constant 0 : i32
      %dma_wait3A_93 = tpu.memref_slice %arg7[%run_scoped3A, %dma_wait3A_92] : memref<80x128xi32, #tpu.memory_space<vmem>> -> memref<1x128xi32, #tpu.memory_space<vmem>>
      %dma_wait3A_94 = tpu.memref_squeeze %dma_wait3A_93 : memref<1x128xi32, #tpu.memory_space<vmem>> -> memref<128xi32, #tpu.memory_space<vmem>>
      %dma_wait3A_95 = arith.constant 0 : i32
      %dma_wait3A_96 = arith.constant 0 : i32
      %dma_wait3A_97 = tpu.memref_slice %arg17[%dma_wait3A_95, %dma_wait3A_96] : memref<10240x16xf32, #tpu.memory_space<vmem_shared>> -> memref<10240x16xf32, #tpu.memory_space<vmem_shared>>
      tpu.wait_indirect_dma semaphore(%run_scoped3A_85 : memref<!tpu.dma_semaphore, #tpu.memory_space<semaphore_mem>>) src(%arg8 : memref<128x16xf32, #tpu.memory_space<vmem>>) dst(%dma_wait3A_97 : memref<10240x16xf32, #tpu.memory_space<vmem_shared>>)
      tpu.yield
    }) : () -> ()
    %dma_wait3A_53 = arith.constant 77 : i32
    %dma_wait3A_54 = arith.constant 0 : i32
    %dma_wait3A_55 = tpu.memref_slice %arg6[%dma_wait3A_53, %dma_wait3A_54] : memref<80x128xi32, #tpu.memory_space<vmem>> -> memref<1x128xi32, #tpu.memory_space<vmem>>
    %dma_wait3A_56 = tpu.memref_squeeze %dma_wait3A_55 : memref<1x128xi32, #tpu.memory_space<vmem>> -> memref<128xi32, #tpu.memory_space<vmem>>
    %dma_wait3A_57 = arith.constant 0 : i32
    %dma_wait3A_58 = arith.constant 0 : i32
    %dma_wait3A_59 = tpu.memref_slice %arg2[%dma_wait3A_57, %dma_wait3A_58] : memref<10000x16xf32, #tpu.memory_space<hbm>> -> memref<10000x16xf32, #tpu.memory_space<hbm>>
    tpu.wait_indirect_dma semaphore(%arg14 : memref<!tpu.dma_semaphore, #tpu.memory_space<semaphore_mem>>) src(%dma_wait3A_59 : memref<10000x16xf32, #tpu.memory_space<hbm>>) dst(%arg9 : memref<128x16xf32, #tpu.memory_space<vmem>>)
    %run_scoped3A_60 = arith.constant 77 : i32
    "tpu.region"() ({
      %run_scoped3A_85 = tpu.sem_alloc : memref<!tpu.dma_semaphore, #tpu.memory_space<semaphore_mem>>
      %dma_start3A_86 = arith.constant 0 : i32
      %dma_start3A_87 = tpu.memref_slice %arg7[%run_scoped3A_60, %dma_start3A_86] : memref<80x128xi32, #tpu.memory_space<vmem>> -> memref<1x128xi32, #tpu.memory_space<vmem>>
      %dma_start3A_88 = tpu.memref_squeeze %dma_start3A_87 : memref<1x128xi32, #tpu.memory_space<vmem>> -> memref<128xi32, #tpu.memory_space<vmem>>
      %dma_start3A_89 = arith.constant 0 : i32
      %dma_start3A_90 = arith.constant 0 : i32
      %dma_start3A_91 = tpu.memref_slice %arg17[%dma_start3A_89, %dma_start3A_90] : memref<10240x16xf32, #tpu.memory_space<vmem_shared>> -> memref<10240x16xf32, #tpu.memory_space<vmem_shared>>
      tpu.enqueue_indirect_dma source(%arg9 : memref<128x16xf32, #tpu.memory_space<vmem>>) target(%dma_start3A_91 : memref<10240x16xf32, #tpu.memory_space<vmem_shared>>) offsets(%dma_start3A_88 : memref<128xi32, #tpu.memory_space<vmem>>) semaphore(%run_scoped3A_85 : memref<!tpu.dma_semaphore, #tpu.memory_space<semaphore_mem>>) {add = true}
      %dma_wait3A_92 = arith.constant 0 : i32
      %dma_wait3A_93 = tpu.memref_slice %arg7[%run_scoped3A_60, %dma_wait3A_92] : memref<80x128xi32, #tpu.memory_space<vmem>> -> memref<1x128xi32, #tpu.memory_space<vmem>>
      %dma_wait3A_94 = tpu.memref_squeeze %dma_wait3A_93 : memref<1x128xi32, #tpu.memory_space<vmem>> -> memref<128xi32, #tpu.memory_space<vmem>>
      %dma_wait3A_95 = arith.constant 0 : i32
      %dma_wait3A_96 = arith.constant 0 : i32
      %dma_wait3A_97 = tpu.memref_slice %arg17[%dma_wait3A_95, %dma_wait3A_96] : memref<10240x16xf32, #tpu.memory_space<vmem_shared>> -> memref<10240x16xf32, #tpu.memory_space<vmem_shared>>
      tpu.wait_indirect_dma semaphore(%run_scoped3A_85 : memref<!tpu.dma_semaphore, #tpu.memory_space<semaphore_mem>>) src(%arg9 : memref<128x16xf32, #tpu.memory_space<vmem>>) dst(%dma_wait3A_97 : memref<10240x16xf32, #tpu.memory_space<vmem_shared>>)
      tpu.yield
    }) : () -> ()
    %dma_wait3A_61 = arith.constant 78 : i32
    %dma_wait3A_62 = arith.constant 0 : i32
    %dma_wait3A_63 = tpu.memref_slice %arg6[%dma_wait3A_61, %dma_wait3A_62] : memref<80x128xi32, #tpu.memory_space<vmem>> -> memref<1x128xi32, #tpu.memory_space<vmem>>
    %dma_wait3A_64 = tpu.memref_squeeze %dma_wait3A_63 : memref<1x128xi32, #tpu.memory_space<vmem>> -> memref<128xi32, #tpu.memory_space<vmem>>
    %dma_wait3A_65 = arith.constant 0 : i32
    %dma_wait3A_66 = arith.constant 0 : i32
    %dma_wait3A_67 = tpu.memref_slice %arg2[%dma_wait3A_65, %dma_wait3A_66] : memref<10000x16xf32, #tpu.memory_space<hbm>> -> memref<10000x16xf32, #tpu.memory_space<hbm>>
    tpu.wait_indirect_dma semaphore(%arg15 : memref<!tpu.dma_semaphore, #tpu.memory_space<semaphore_mem>>) src(%dma_wait3A_67 : memref<10000x16xf32, #tpu.memory_space<hbm>>) dst(%arg10 : memref<128x16xf32, #tpu.memory_space<vmem>>)
    %run_scoped3A_68 = arith.constant 78 : i32
    "tpu.region"() ({
      %run_scoped3A_85 = tpu.sem_alloc : memref<!tpu.dma_semaphore, #tpu.memory_space<semaphore_mem>>
      %dma_start3A_86 = arith.constant 0 : i32
      %dma_start3A_87 = tpu.memref_slice %arg7[%run_scoped3A_68, %dma_start3A_86] : memref<80x128xi32, #tpu.memory_space<vmem>> -> memref<1x128xi32, #tpu.memory_space<vmem>>
      %dma_start3A_88 = tpu.memref_squeeze %dma_start3A_87 : memref<1x128xi32, #tpu.memory_space<vmem>> -> memref<128xi32, #tpu.memory_space<vmem>>
      %dma_start3A_89 = arith.constant 0 : i32
      %dma_start3A_90 = arith.constant 0 : i32
      %dma_start3A_91 = tpu.memref_slice %arg17[%dma_start3A_89, %dma_start3A_90] : memref<10240x16xf32, #tpu.memory_space<vmem_shared>> -> memref<10240x16xf32, #tpu.memory_space<vmem_shared>>
      tpu.enqueue_indirect_dma source(%arg10 : memref<128x16xf32, #tpu.memory_space<vmem>>) target(%dma_start3A_91 : memref<10240x16xf32, #tpu.memory_space<vmem_shared>>) offsets(%dma_start3A_88 : memref<128xi32, #tpu.memory_space<vmem>>) semaphore(%run_scoped3A_85 : memref<!tpu.dma_semaphore, #tpu.memory_space<semaphore_mem>>) {add = true}
      %dma_wait3A_92 = arith.constant 0 : i32
      %dma_wait3A_93 = tpu.memref_slice %arg7[%run_scoped3A_68, %dma_wait3A_92] : memref<80x128xi32, #tpu.memory_space<vmem>> -> memref<1x128xi32, #tpu.memory_space<vmem>>
      %dma_wait3A_94 = tpu.memref_squeeze %dma_wait3A_93 : memref<1x128xi32, #tpu.memory_space<vmem>> -> memref<128xi32, #tpu.memory_space<vmem>>
      %dma_wait3A_95 = arith.constant 0 : i32
      %dma_wait3A_96 = arith.constant 0 : i32
      %dma_wait3A_97 = tpu.memref_slice %arg17[%dma_wait3A_95, %dma_wait3A_96] : memref<10240x16xf32, #tpu.memory_space<vmem_shared>> -> memref<10240x16xf32, #tpu.memory_space<vmem_shared>>
      tpu.wait_indirect_dma semaphore(%run_scoped3A_85 : memref<!tpu.dma_semaphore, #tpu.memory_space<semaphore_mem>>) src(%arg10 : memref<128x16xf32, #tpu.memory_space<vmem>>) dst(%dma_wait3A_97 : memref<10240x16xf32, #tpu.memory_space<vmem_shared>>)
      tpu.yield
    }) : () -> ()
    %dma_wait3A_69 = arith.constant 79 : i32
    %dma_wait3A_70 = arith.constant 0 : i32
    %dma_wait3A_71 = tpu.memref_slice %arg6[%dma_wait3A_69, %dma_wait3A_70] : memref<80x128xi32, #tpu.memory_space<vmem>> -> memref<1x128xi32, #tpu.memory_space<vmem>>
    %dma_wait3A_72 = tpu.memref_squeeze %dma_wait3A_71 : memref<1x128xi32, #tpu.memory_space<vmem>> -> memref<128xi32, #tpu.memory_space<vmem>>
    %dma_wait3A_73 = arith.constant 0 : i32
    %dma_wait3A_74 = arith.constant 0 : i32
    %dma_wait3A_75 = tpu.memref_slice %arg2[%dma_wait3A_73, %dma_wait3A_74] : memref<10000x16xf32, #tpu.memory_space<hbm>> -> memref<10000x16xf32, #tpu.memory_space<hbm>>
    tpu.wait_indirect_dma semaphore(%arg16 : memref<!tpu.dma_semaphore, #tpu.memory_space<semaphore_mem>>) src(%dma_wait3A_75 : memref<10000x16xf32, #tpu.memory_space<hbm>>) dst(%arg11 : memref<128x16xf32, #tpu.memory_space<vmem>>)
    %run_scoped3A_76 = arith.constant 79 : i32
    "tpu.region"() ({
      %run_scoped3A_85 = tpu.sem_alloc : memref<!tpu.dma_semaphore, #tpu.memory_space<semaphore_mem>>
      %dma_start3A_86 = arith.constant 0 : i32
      %dma_start3A_87 = tpu.memref_slice %arg7[%run_scoped3A_76, %dma_start3A_86] : memref<80x128xi32, #tpu.memory_space<vmem>> -> memref<1x128xi32, #tpu.memory_space<vmem>>
      %dma_start3A_88 = tpu.memref_squeeze %dma_start3A_87 : memref<1x128xi32, #tpu.memory_space<vmem>> -> memref<128xi32, #tpu.memory_space<vmem>>
      %dma_start3A_89 = arith.constant 0 : i32
      %dma_start3A_90 = arith.constant 0 : i32
      %dma_start3A_91 = tpu.memref_slice %arg17[%dma_start3A_89, %dma_start3A_90] : memref<10240x16xf32, #tpu.memory_space<vmem_shared>> -> memref<10240x16xf32, #tpu.memory_space<vmem_shared>>
      tpu.enqueue_indirect_dma source(%arg11 : memref<128x16xf32, #tpu.memory_space<vmem>>) target(%dma_start3A_91 : memref<10240x16xf32, #tpu.memory_space<vmem_shared>>) offsets(%dma_start3A_88 : memref<128xi32, #tpu.memory_space<vmem>>) semaphore(%run_scoped3A_85 : memref<!tpu.dma_semaphore, #tpu.memory_space<semaphore_mem>>) {add = true}
      %dma_wait3A_92 = arith.constant 0 : i32
      %dma_wait3A_93 = tpu.memref_slice %arg7[%run_scoped3A_76, %dma_wait3A_92] : memref<80x128xi32, #tpu.memory_space<vmem>> -> memref<1x128xi32, #tpu.memory_space<vmem>>
      %dma_wait3A_94 = tpu.memref_squeeze %dma_wait3A_93 : memref<1x128xi32, #tpu.memory_space<vmem>> -> memref<128xi32, #tpu.memory_space<vmem>>
      %dma_wait3A_95 = arith.constant 0 : i32
      %dma_wait3A_96 = arith.constant 0 : i32
      %dma_wait3A_97 = tpu.memref_slice %arg17[%dma_wait3A_95, %dma_wait3A_96] : memref<10240x16xf32, #tpu.memory_space<vmem_shared>> -> memref<10240x16xf32, #tpu.memory_space<vmem_shared>>
      tpu.wait_indirect_dma semaphore(%run_scoped3A_85 : memref<!tpu.dma_semaphore, #tpu.memory_space<semaphore_mem>>) src(%arg11 : memref<128x16xf32, #tpu.memory_space<vmem>>) dst(%dma_wait3A_97 : memref<10240x16xf32, #tpu.memory_space<vmem_shared>>)
      tpu.yield
    }) : () -> ()
    %barrier3A_77 = arith.constant 0 : index
    tpu.barrier barrier_id(%barrier3A_77)
    %mul3A_78 = arith.constant 640 : i32
    %mul3A_79 = arith.muli %arg1, %mul3A_78 : i32
    "tpu.region"() ({
      %run_scoped3A_85 = tpu.sem_alloc : memref<!tpu.dma_semaphore, #tpu.memory_space<semaphore_mem>>
      %dma_start3A_86 = arith.constant 0 : i32
      %dma_start3A_87 = tpu.memref_slice %arg17[%mul3A_79, %dma_start3A_86] : memref<10240x16xf32, #tpu.memory_space<vmem_shared>> -> memref<640x16xf32, #tpu.memory_space<vmem_shared>>
      %dma_start3A_88 = arith.constant 0 : i32
      %dma_start3A_89 = tpu.memref_slice %arg17[%mul3A_79, %dma_start3A_88] : memref<10240x16xf32, #tpu.memory_space<vmem_shared>> -> memref<640x16xf32, #tpu.memory_space<vmem_shared>>
      tpu.enqueue_dma source(%dma_start3A_89 : memref<640x16xf32, #tpu.memory_space<vmem_shared>>) target(%arg12 : memref<640x16xf32, #tpu.memory_space<vmem>>) target_semaphore(%run_scoped3A_85 : memref<!tpu.dma_semaphore, #tpu.memory_space<semaphore_mem>>)
      %dma_wait3A_90 = arith.constant 0 : i32
      %dma_wait3A_91 = tpu.memref_slice %arg17[%mul3A_79, %dma_wait3A_90] : memref<10240x16xf32, #tpu.memory_space<vmem_shared>> -> memref<640x16xf32, #tpu.memory_space<vmem_shared>>
      %dma_wait3A_92 = arith.constant 0 : i32
      %dma_wait3A_93 = tpu.memref_slice %arg17[%mul3A_79, %dma_wait3A_92] : memref<10240x16xf32, #tpu.memory_space<vmem_shared>> -> memref<640x16xf32, #tpu.memory_space<vmem_shared>>
      tpu.wait_dma2 semaphore(%run_scoped3A_85 : memref<!tpu.dma_semaphore, #tpu.memory_space<semaphore_mem>>) src(%dma_wait3A_93 : memref<640x16xf32, #tpu.memory_space<vmem_shared>>) dst(%arg12 : memref<640x16xf32, #tpu.memory_space<vmem>>)
      tpu.yield
    }) : () -> ()
    %mul3A_80 = arith.constant 10240 : i32
    %mul3A_81 = arith.muli %arg0, %mul3A_80 : i32
    %mul3A_82 = arith.constant 640 : i32
    %mul3A_83 = arith.muli %arg1, %mul3A_82 : i32
    %add3A_84 = arith.addi %mul3A_81, %mul3A_83 : i32
    "tpu.region"() ({
      %run_scoped3A_85 = tpu.sem_alloc : memref<!tpu.dma_semaphore, #tpu.memory_space<semaphore_mem>>
      %dma_start3A_86 = arith.constant 0 : i32
      %dma_start3A_87 = tpu.memref_slice %arg5[%add3A_84, %dma_start3A_86] : memref<20480x16xf32, #tpu.memory_space<hbm>> -> memref<640x16xf32, #tpu.memory_space<hbm>>
      %dma_start3A_88 = arith.constant 0 : i32
      %dma_start3A_89 = tpu.memref_slice %arg5[%add3A_84, %dma_start3A_88] : memref<20480x16xf32, #tpu.memory_space<hbm>> -> memref<640x16xf32, #tpu.memory_space<hbm>>
      tpu.enqueue_dma source(%arg12 : memref<640x16xf32, #tpu.memory_space<vmem>>) target(%dma_start3A_89 : memref<640x16xf32, #tpu.memory_space<hbm>>) target_semaphore(%run_scoped3A_85 : memref<!tpu.dma_semaphore, #tpu.memory_space<semaphore_mem>>)
      %dma_wait3A_90 = arith.constant 0 : i32
      %dma_wait3A_91 = tpu.memref_slice %arg5[%add3A_84, %dma_wait3A_90] : memref<20480x16xf32, #tpu.memory_space<hbm>> -> memref<640x16xf32, #tpu.memory_space<hbm>>
      %dma_wait3A_92 = arith.constant 0 : i32
      %dma_wait3A_93 = tpu.memref_slice %arg5[%add3A_84, %dma_wait3A_92] : memref<20480x16xf32, #tpu.memory_space<hbm>> -> memref<640x16xf32, #tpu.memory_space<hbm>>
      tpu.wait_dma2 semaphore(%run_scoped3A_85 : memref<!tpu.dma_semaphore, #tpu.memory_space<semaphore_mem>>) src(%arg12 : memref<640x16xf32, #tpu.memory_space<vmem>>) dst(%dma_wait3A_93 : memref<640x16xf32, #tpu.memory_space<hbm>>)
      tpu.yield
    }) : () -> ()
    return
  }
}

#map = affine_map<(d0, d1) -> (0, 0)>
module attributes {stable_mosaic.version = 14 : i64} {
  func.func @_agg_body(%arg0: i32, %arg1: i32, %arg2: memref<10000x16xf32, #tpu.memory_space<hbm>>, %arg3: memref<2560x128xi32, #tpu.memory_space<hbm>>, %arg4: memref<2560x128xi32, #tpu.memory_space<hbm>>, %arg5: memref<20480x16xf32, #tpu.memory_space<hbm>>, %arg6: memref<80x128xi32, #tpu.memory_space<vmem>>, %arg7: memref<80x128xi32, #tpu.memory_space<vmem>>, %arg8: memref<128x16xf32, #tpu.memory_space<vmem>>, %arg9: memref<128x16xf32, #tpu.memory_space<vmem>>, %arg10: memref<128x16xf32, #tpu.memory_space<vmem>>, %arg11: memref<128x16xf32, #tpu.memory_space<vmem>>, %arg12: memref<640x16xf32, #tpu.memory_space<vmem>>, %arg13: memref<!tpu.dma_semaphore, #tpu.memory_space<semaphore_mem>>, %arg14: memref<!tpu.dma_semaphore, #tpu.memory_space<semaphore_mem>>, %arg15: memref<!tpu.dma_semaphore, #tpu.memory_space<semaphore_mem>>, %arg16: memref<!tpu.dma_semaphore, #tpu.memory_space<semaphore_mem>>, %arg17: memref<10240x16xf32, #tpu.memory_space<vmem_shared>>) attributes {dimension_semantics = [#tpu.dimension_semantics<core_parallel>, #tpu.dimension_semantics<subcore_parallel>], iteration_bounds = array<i64: 2, 16>, scalar_prefetch = 0 : i64, scratch_operands = 12 : i64, tpu.core_type = #tpu.core_type<sc_vector_subcore>, window_params = [{transform_indices = #map}, {transform_indices = #map}, {transform_indices = #map}, {transform_indices = #map}]} {
    %mul3A = arith.constant 16 : i32
    %mul3A_0 = arith.muli %arg0, %mul3A : i32
    %add3A = arith.addi %mul3A_0, %arg1 : i32
    %scan3A = arith.constant 0 : i32
    %scan3A_1 = arith.constant 0 : i32
    %scan3A_2 = arith.constant 640 : i32
    %scan3A_3 = arith.addi %scan3A_1, %scan3A_2 : i32
    %scan3A_4 = arith.constant 1 : i32
    %scan3A_5 = scf.for %scan3A_85 = %scan3A_1 to %scan3A_3 step %scan3A_4 iter_args(%scan3A_86 = %scan3A) -> (i32)  : i32 {
      %broadcast_in_dim3A = arith.constant 0.000000e+00 : f32
      %broadcast_in_dim3A_87 = vector.broadcast %broadcast_in_dim3A : f32 to vector<16xf32>
      %swap3A = arith.index_cast %scan3A_85 : i32 to index
      %swap3A_88 = arith.constant 0 : index
      %swap3A_89 = tpu.vector_load %arg12[%swap3A, %swap3A_88] {strides = array<i32>} : memref<640x16xf32, #tpu.memory_space<vmem>>, vector<1x16xf32>,
      %swap3A_90 = vector.shape_cast %swap3A_89 : vector<1x16xf32> to vector<16xf32>
      %swap3A_91 = vector.shape_cast %broadcast_in_dim3A_87 : vector<16xf32> to vector<1x16xf32>
      tpu.vector_store %arg12[%swap3A, %swap3A_88], %swap3A_91 {strides = array<i32>} : memref<640x16xf32, #tpu.memory_space<vmem>>, vector<1x16xf32>,
      %scan3A_92 = arith.constant 0 : i32
      scf.yield %scan3A_92 : i32
    }
    %scan3A_6 = arith.constant 640 : i32
    %mul3A_7 = arith.constant 640 : i32
    %mul3A_8 = arith.muli %arg1, %mul3A_7 : i32
    "tpu.region"() ({
      %run_scoped3A_85 = tpu.sem_alloc : memref<!tpu.dma_semaphore, #tpu.memory_space<semaphore_mem>>
      %dma_start3A_86 = arith.constant 0 : i32
      %dma_start3A_87 = tpu.memref_slice %arg17[%mul3A_8, %dma_start3A_86] : memref<10240x16xf32, #tpu.memory_space<vmem_shared>> -> memref<640x16xf32, #tpu.memory_space<vmem_shared>>
      %dma_start3A_88 = arith.constant 0 : i32
      %dma_start3A_89 = tpu.memref_slice %arg17[%mul3A_8, %dma_start3A_88] : memref<10240x16xf32, #tpu.memory_space<vmem_shared>> -> memref<640x16xf32, #tpu.memory_space<vmem_shared>>
      tpu.enqueue_dma source(%arg12 : memref<640x16xf32, #tpu.memory_space<vmem>>) target(%dma_start3A_89 : memref<640x16xf32, #tpu.memory_space<vmem_shared>>) target_semaphore(%run_scoped3A_85 : memref<!tpu.dma_semaphore, #tpu.memory_space<semaphore_mem>>)
      %dma_wait3A_90 = arith.constant 0 : i32
      %dma_wait3A_91 = tpu.memref_slice %arg17[%mul3A_8, %dma_wait3A_90] : memref<10240x16xf32, #tpu.memory_space<vmem_shared>> -> memref<640x16xf32, #tpu.memory_space<vmem_shared>>
      %dma_wait3A_92 = arith.constant 0 : i32
      %dma_wait3A_93 = tpu.memref_slice %arg17[%mul3A_8, %dma_wait3A_92] : memref<10240x16xf32, #tpu.memory_space<vmem_shared>> -> memref<640x16xf32, #tpu.memory_space<vmem_shared>>
      tpu.wait_dma2 semaphore(%run_scoped3A_85 : memref<!tpu.dma_semaphore, #tpu.memory_space<semaphore_mem>>) src(%arg12 : memref<640x16xf32, #tpu.memory_space<vmem>>) dst(%dma_wait3A_93 : memref<640x16xf32, #tpu.memory_space<vmem_shared>>)
      tpu.yield
    }) : () -> ()
    %mul3A_9 = arith.constant 80 : i32
    %mul3A_10 = arith.muli %add3A, %mul3A_9 : i32
    "tpu.region"() ({
      %run_scoped3A_85 = tpu.sem_alloc : memref<!tpu.dma_semaphore, #tpu.memory_space<semaphore_mem>>
      %dma_start3A_86 = arith.constant 0 : i32
      %dma_start3A_87 = tpu.memref_slice %arg3[%mul3A_10, %dma_start3A_86] : memref<2560x128xi32, #tpu.memory_space<hbm>> -> memref<80x128xi32, #tpu.memory_space<hbm>>
      %dma_start3A_88 = arith.constant 0 : i32
      %dma_start3A_89 = tpu.memref_slice %arg3[%mul3A_10, %dma_start3A_88] : memref<2560x128xi32, #tpu.memory_space<hbm>> -> memref<80x128xi32, #tpu.memory_space<hbm>>
      tpu.enqueue_dma source(%dma_start3A_89 : memref<80x128xi32, #tpu.memory_space<hbm>>) target(%arg6 : memref<80x128xi32, #tpu.memory_space<vmem>>) target_semaphore(%run_scoped3A_85 : memref<!tpu.dma_semaphore, #tpu.memory_space<semaphore_mem>>)
      %dma_wait3A_90 = arith.constant 0 : i32
      %dma_wait3A_91 = tpu.memref_slice %arg3[%mul3A_10, %dma_wait3A_90] : memref<2560x128xi32, #tpu.memory_space<hbm>> -> memref<80x128xi32, #tpu.memory_space<hbm>>
      %dma_wait3A_92 = arith.constant 0 : i32
      %dma_wait3A_93 = tpu.memref_slice %arg3[%mul3A_10, %dma_wait3A_92] : memref<2560x128xi32, #tpu.memory_space<hbm>> -> memref<80x128xi32, #tpu.memory_space<hbm>>
      tpu.wait_dma2 semaphore(%run_scoped3A_85 : memref<!tpu.dma_semaphore, #tpu.memory_space<semaphore_mem>>) src(%dma_wait3A_93 : memref<80x128xi32, #tpu.memory_space<hbm>>) dst(%arg6 : memref<80x128xi32, #tpu.memory_space<vmem>>)
      tpu.yield
    }) : () -> ()
    %mul3A_11 = arith.constant 80 : i32
    %mul3A_12 = arith.muli %add3A, %mul3A_11 : i32
    "tpu.region"() ({
      %run_scoped3A_85 = tpu.sem_alloc : memref<!tpu.dma_semaphore, #tpu.memory_space<semaphore_mem>>
      %dma_start3A_86 = arith.constant 0 : i32
      %dma_start3A_87 = tpu.memref_slice %arg4[%mul3A_12, %dma_start3A_86] : memref<2560x128xi32, #tpu.memory_space<hbm>> -> memref<80x128xi32, #tpu.memory_space<hbm>>
      %dma_start3A_88 = arith.constant 0 : i32
      %dma_start3A_89 = tpu.memref_slice %arg4[%mul3A_12, %dma_start3A_88] : memref<2560x128xi32, #tpu.memory_space<hbm>> -> memref<80x128xi32, #tpu.memory_space<hbm>>
      tpu.enqueue_dma source(%dma_start3A_89 : memref<80x128xi32, #tpu.memory_space<hbm>>) target(%arg7 : memref<80x128xi32, #tpu.memory_space<vmem>>) target_semaphore(%run_scoped3A_85 : memref<!tpu.dma_semaphore, #tpu.memory_space<semaphore_mem>>)
      %dma_wait3A_90 = arith.constant 0 : i32
      %dma_wait3A_91 = tpu.memref_slice %arg4[%mul3A_12, %dma_wait3A_90] : memref<2560x128xi32, #tpu.memory_space<hbm>> -> memref<80x128xi32, #tpu.memory_space<hbm>>
      %dma_wait3A_92 = arith.constant 0 : i32
      %dma_wait3A_93 = tpu.memref_slice %arg4[%mul3A_12, %dma_wait3A_92] : memref<2560x128xi32, #tpu.memory_space<hbm>> -> memref<80x128xi32, #tpu.memory_space<hbm>>
      tpu.wait_dma2 semaphore(%run_scoped3A_85 : memref<!tpu.dma_semaphore, #tpu.memory_space<semaphore_mem>>) src(%dma_wait3A_93 : memref<80x128xi32, #tpu.memory_space<hbm>>) dst(%arg7 : memref<80x128xi32, #tpu.memory_space<vmem>>)
      tpu.yield
    }) : () -> ()
    %barrier3A = arith.constant 0 : index
    tpu.barrier barrier_id(%barrier3A)
    %dma_start3A = arith.constant 0 : i32
    %dma_start3A_13 = arith.constant 0 : i32
    %dma_start3A_14 = tpu.memref_slice %arg6[%dma_start3A, %dma_start3A_13] : memref<80x128xi32, #tpu.memory_space<vmem>> -> memref<1x128xi32, #tpu.memory_space<vmem>>
    %dma_start3A_15 = tpu.memref_squeeze %dma_start3A_14 : memref<1x128xi32, #tpu.memory_space<vmem>> -> memref<128xi32, #tpu.memory_space<vmem>>
    %dma_start3A_16 = arith.constant 0 : i32
    %dma_start3A_17 = arith.constant 0 : i32
    %dma_start3A_18 = tpu.memref_slice %arg2[%dma_start3A_16, %dma_start3A_17] : memref<10000x16xf32, #tpu.memory_space<hbm>> -> memref<10000x16xf32, #tpu.memory_space<hbm>>
    tpu.enqueue_indirect_dma source(%dma_start3A_18 : memref<10000x16xf32, #tpu.memory_space<hbm>>) target(%arg8 : memref<128x16xf32, #tpu.memory_space<vmem>>) offsets(%dma_start3A_15 : memref<128xi32, #tpu.memory_space<vmem>>) semaphore(%arg13 : memref<!tpu.dma_semaphore, #tpu.memory_space<semaphore_mem>>)
    %dma_start3A_19 = arith.constant 1 : i32
    %dma_start3A_20 = arith.constant 0 : i32
    %dma_start3A_21 = tpu.memref_slice %arg6[%dma_start3A_19, %dma_start3A_20] : memref<80x128xi32, #tpu.memory_space<vmem>> -> memref<1x128xi32, #tpu.memory_space<vmem>>
    %dma_start3A_22 = tpu.memref_squeeze %dma_start3A_21 : memref<1x128xi32, #tpu.memory_space<vmem>> -> memref<128xi32, #tpu.memory_space<vmem>>
    %dma_start3A_23 = arith.constant 0 : i32
    %dma_start3A_24 = arith.constant 0 : i32
    %dma_start3A_25 = tpu.memref_slice %arg2[%dma_start3A_23, %dma_start3A_24] : memref<10000x16xf32, #tpu.memory_space<hbm>> -> memref<10000x16xf32, #tpu.memory_space<hbm>>
    tpu.enqueue_indirect_dma source(%dma_start3A_25 : memref<10000x16xf32, #tpu.memory_space<hbm>>) target(%arg9 : memref<128x16xf32, #tpu.memory_space<vmem>>) offsets(%dma_start3A_22 : memref<128xi32, #tpu.memory_space<vmem>>) semaphore(%arg14 : memref<!tpu.dma_semaphore, #tpu.memory_space<semaphore_mem>>)
    %dma_start3A_26 = arith.constant 2 : i32
    %dma_start3A_27 = arith.constant 0 : i32
    %dma_start3A_28 = tpu.memref_slice %arg6[%dma_start3A_26, %dma_start3A_27] : memref<80x128xi32, #tpu.memory_space<vmem>> -> memref<1x128xi32, #tpu.memory_space<vmem>>
    %dma_start3A_29 = tpu.memref_squeeze %dma_start3A_28 : memref<1x128xi32, #tpu.memory_space<vmem>> -> memref<128xi32, #tpu.memory_space<vmem>>
    %dma_start3A_30 = arith.constant 0 : i32
    %dma_start3A_31 = arith.constant 0 : i32
    %dma_start3A_32 = tpu.memref_slice %arg2[%dma_start3A_30, %dma_start3A_31] : memref<10000x16xf32, #tpu.memory_space<hbm>> -> memref<10000x16xf32, #tpu.memory_space<hbm>>
    tpu.enqueue_indirect_dma source(%dma_start3A_32 : memref<10000x16xf32, #tpu.memory_space<hbm>>) target(%arg10 : memref<128x16xf32, #tpu.memory_space<vmem>>) offsets(%dma_start3A_29 : memref<128xi32, #tpu.memory_space<vmem>>) semaphore(%arg15 : memref<!tpu.dma_semaphore, #tpu.memory_space<semaphore_mem>>)
    %dma_start3A_33 = arith.constant 3 : i32
    %dma_start3A_34 = arith.constant 0 : i32
    %dma_start3A_35 = tpu.memref_slice %arg6[%dma_start3A_33, %dma_start3A_34] : memref<80x128xi32, #tpu.memory_space<vmem>> -> memref<1x128xi32, #tpu.memory_space<vmem>>
    %dma_start3A_36 = tpu.memref_squeeze %dma_start3A_35 : memref<1x128xi32, #tpu.memory_space<vmem>> -> memref<128xi32, #tpu.memory_space<vmem>>
    %dma_start3A_37 = arith.constant 0 : i32
    %dma_start3A_38 = arith.constant 0 : i32
    %dma_start3A_39 = tpu.memref_slice %arg2[%dma_start3A_37, %dma_start3A_38] : memref<10000x16xf32, #tpu.memory_space<hbm>> -> memref<10000x16xf32, #tpu.memory_space<hbm>>
    tpu.enqueue_indirect_dma source(%dma_start3A_39 : memref<10000x16xf32, #tpu.memory_space<hbm>>) target(%arg11 : memref<128x16xf32, #tpu.memory_space<vmem>>) offsets(%dma_start3A_36 : memref<128xi32, #tpu.memory_space<vmem>>) semaphore(%arg16 : memref<!tpu.dma_semaphore, #tpu.memory_space<semaphore_mem>>)
    %scan3A_40 = arith.constant 0 : i32
    %scan3A_41 = arith.constant 0 : i32
    %scan3A_42 = arith.constant 19 : i32
    %scan3A_43 = arith.addi %scan3A_41, %scan3A_42 : i32
    %scan3A_44 = arith.constant 1 : i32
    %scan3A_45 = scf.for %scan3A_85 = %scan3A_41 to %scan3A_43 step %scan3A_44 iter_args(%scan3A_86 = %scan3A_40) -> (i32)  : i32 {
      %mul3A_87 = arith.constant 4 : i32
      %mul3A_88 = arith.muli %mul3A_87, %scan3A_85 : i32
      %add3A_89 = arith.constant 0 : i32
      %add3A_90 = arith.addi %mul3A_88, %add3A_89 : i32
      %dma_wait3A_91 = arith.constant 0 : i32
      %dma_wait3A_92 = tpu.memref_slice %arg6[%add3A_90, %dma_wait3A_91] : memref<80x128xi32, #tpu.memory_space<vmem>> -> memref<1x128xi32, #tpu.memory_space<vmem>>
      %dma_wait3A_93 = tpu.memref_squeeze %dma_wait3A_92 : memref<1x128xi32, #tpu.memory_space<vmem>> -> memref<128xi32, #tpu.memory_space<vmem>>
      %dma_wait3A_94 = arith.constant 0 : i32
      %dma_wait3A_95 = arith.constant 0 : i32
      %dma_wait3A_96 = tpu.memref_slice %arg2[%dma_wait3A_94, %dma_wait3A_95] : memref<10000x16xf32, #tpu.memory_space<hbm>> -> memref<10000x16xf32, #tpu.memory_space<hbm>>
      tpu.wait_indirect_dma semaphore(%arg13 : memref<!tpu.dma_semaphore, #tpu.memory_space<semaphore_mem>>) src(%dma_wait3A_96 : memref<10000x16xf32, #tpu.memory_space<hbm>>) dst(%arg8 : memref<128x16xf32, #tpu.memory_space<vmem>>)
      "tpu.region"() ({
        %run_scoped3A_160 = tpu.sem_alloc : memref<!tpu.dma_semaphore, #tpu.memory_space<semaphore_mem>>
        %dma_start3A_161 = arith.constant 0 : i32
        %dma_start3A_162 = tpu.memref_slice %arg7[%add3A_90, %dma_start3A_161] : memref<80x128xi32, #tpu.memory_space<vmem>> -> memref<1x128xi32, #tpu.memory_space<vmem>>
        %dma_start3A_163 = tpu.memref_squeeze %dma_start3A_162 : memref<1x128xi32, #tpu.memory_space<vmem>> -> memref<128xi32, #tpu.memory_space<vmem>>
        %dma_start3A_164 = arith.constant 0 : i32
        %dma_start3A_165 = arith.constant 0 : i32
        %dma_start3A_166 = tpu.memref_slice %arg17[%dma_start3A_164, %dma_start3A_165] : memref<10240x16xf32, #tpu.memory_space<vmem_shared>> -> memref<10240x16xf32, #tpu.memory_space<vmem_shared>>
        tpu.enqueue_indirect_dma source(%arg8 : memref<128x16xf32, #tpu.memory_space<vmem>>) target(%dma_start3A_166 : memref<10240x16xf32, #tpu.memory_space<vmem_shared>>) offsets(%dma_start3A_163 : memref<128xi32, #tpu.memory_space<vmem>>) semaphore(%run_scoped3A_160 : memref<!tpu.dma_semaphore, #tpu.memory_space<semaphore_mem>>) {add = true}
        %dma_wait3A_167 = arith.constant 0 : i32
        %dma_wait3A_168 = tpu.memref_slice %arg7[%add3A_90, %dma_wait3A_167] : memref<80x128xi32, #tpu.memory_space<vmem>> -> memref<1x128xi32, #tpu.memory_space<vmem>>
        %dma_wait3A_169 = tpu.memref_squeeze %dma_wait3A_168 : memref<1x128xi32, #tpu.memory_space<vmem>> -> memref<128xi32, #tpu.memory_space<vmem>>
        %dma_wait3A_170 = arith.constant 0 : i32
        %dma_wait3A_171 = arith.constant 0 : i32
        %dma_wait3A_172 = tpu.memref_slice %arg17[%dma_wait3A_170, %dma_wait3A_171] : memref<10240x16xf32, #tpu.memory_space<vmem_shared>> -> memref<10240x16xf32, #tpu.memory_space<vmem_shared>>
        tpu.wait_indirect_dma semaphore(%run_scoped3A_160 : memref<!tpu.dma_semaphore, #tpu.memory_space<semaphore_mem>>) src(%arg8 : memref<128x16xf32, #tpu.memory_space<vmem>>) dst(%dma_wait3A_172 : memref<10240x16xf32, #tpu.memory_space<vmem_shared>>)
        tpu.yield
      }) : () -> ()
      %add3A_97 = arith.constant 4 : i32
      %add3A_98 = arith.addi %add3A_90, %add3A_97 : i32
      %dma_start3A_99 = arith.constant 0 : i32
      %dma_start3A_100 = tpu.memref_slice %arg6[%add3A_98, %dma_start3A_99] : memref<80x128xi32, #tpu.memory_space<vmem>> -> memref<1x128xi32, #tpu.memory_space<vmem>>
      %dma_start3A_101 = tpu.memref_squeeze %dma_start3A_100 : memref<1x128xi32, #tpu.memory_space<vmem>> -> memref<128xi32, #tpu.memory_space<vmem>>
      %dma_start3A_102 = arith.constant 0 : i32
      %dma_start3A_103 = arith.constant 0 : i32
      %dma_start3A_104 = tpu.memref_slice %arg2[%dma_start3A_102, %dma_start3A_103] : memref<10000x16xf32, #tpu.memory_space<hbm>> -> memref<10000x16xf32, #tpu.memory_space<hbm>>
      tpu.enqueue_indirect_dma source(%dma_start3A_104 : memref<10000x16xf32, #tpu.memory_space<hbm>>) target(%arg8 : memref<128x16xf32, #tpu.memory_space<vmem>>) offsets(%dma_start3A_101 : memref<128xi32, #tpu.memory_space<vmem>>) semaphore(%arg13 : memref<!tpu.dma_semaphore, #tpu.memory_space<semaphore_mem>>)
      %mul3A_105 = arith.constant 4 : i32
      %mul3A_106 = arith.muli %mul3A_105, %scan3A_85 : i32
      %add3A_107 = arith.constant 1 : i32
      %add3A_108 = arith.addi %mul3A_106, %add3A_107 : i32
      %dma_wait3A_109 = arith.constant 0 : i32
      %dma_wait3A_110 = tpu.memref_slice %arg6[%add3A_108, %dma_wait3A_109] : memref<80x128xi32, #tpu.memory_space<vmem>> -> memref<1x128xi32, #tpu.memory_space<vmem>>
      %dma_wait3A_111 = tpu.memref_squeeze %dma_wait3A_110 : memref<1x128xi32, #tpu.memory_space<vmem>> -> memref<128xi32, #tpu.memory_space<vmem>>
      %dma_wait3A_112 = arith.constant 0 : i32
      %dma_wait3A_113 = arith.constant 0 : i32
      %dma_wait3A_114 = tpu.memref_slice %arg2[%dma_wait3A_112, %dma_wait3A_113] : memref<10000x16xf32, #tpu.memory_space<hbm>> -> memref<10000x16xf32, #tpu.memory_space<hbm>>
      tpu.wait_indirect_dma semaphore(%arg14 : memref<!tpu.dma_semaphore, #tpu.memory_space<semaphore_mem>>) src(%dma_wait3A_114 : memref<10000x16xf32, #tpu.memory_space<hbm>>) dst(%arg9 : memref<128x16xf32, #tpu.memory_space<vmem>>)
      "tpu.region"() ({
        %run_scoped3A_160 = tpu.sem_alloc : memref<!tpu.dma_semaphore, #tpu.memory_space<semaphore_mem>>
        %dma_start3A_161 = arith.constant 0 : i32
        %dma_start3A_162 = tpu.memref_slice %arg7[%add3A_108, %dma_start3A_161] : memref<80x128xi32, #tpu.memory_space<vmem>> -> memref<1x128xi32, #tpu.memory_space<vmem>>
        %dma_start3A_163 = tpu.memref_squeeze %dma_start3A_162 : memref<1x128xi32, #tpu.memory_space<vmem>> -> memref<128xi32, #tpu.memory_space<vmem>>
        %dma_start3A_164 = arith.constant 0 : i32
        %dma_start3A_165 = arith.constant 0 : i32
        %dma_start3A_166 = tpu.memref_slice %arg17[%dma_start3A_164, %dma_start3A_165] : memref<10240x16xf32, #tpu.memory_space<vmem_shared>> -> memref<10240x16xf32, #tpu.memory_space<vmem_shared>>
        tpu.enqueue_indirect_dma source(%arg9 : memref<128x16xf32, #tpu.memory_space<vmem>>) target(%dma_start3A_166 : memref<10240x16xf32, #tpu.memory_space<vmem_shared>>) offsets(%dma_start3A_163 : memref<128xi32, #tpu.memory_space<vmem>>) semaphore(%run_scoped3A_160 : memref<!tpu.dma_semaphore, #tpu.memory_space<semaphore_mem>>) {add = true}
        %dma_wait3A_167 = arith.constant 0 : i32
        %dma_wait3A_168 = tpu.memref_slice %arg7[%add3A_108, %dma_wait3A_167] : memref<80x128xi32, #tpu.memory_space<vmem>> -> memref<1x128xi32, #tpu.memory_space<vmem>>
        %dma_wait3A_169 = tpu.memref_squeeze %dma_wait3A_168 : memref<1x128xi32, #tpu.memory_space<vmem>> -> memref<128xi32, #tpu.memory_space<vmem>>
        %dma_wait3A_170 = arith.constant 0 : i32
        %dma_wait3A_171 = arith.constant 0 : i32
        %dma_wait3A_172 = tpu.memref_slice %arg17[%dma_wait3A_170, %dma_wait3A_171] : memref<10240x16xf32, #tpu.memory_space<vmem_shared>> -> memref<10240x16xf32, #tpu.memory_space<vmem_shared>>
        tpu.wait_indirect_dma semaphore(%run_scoped3A_160 : memref<!tpu.dma_semaphore, #tpu.memory_space<semaphore_mem>>) src(%arg9 : memref<128x16xf32, #tpu.memory_space<vmem>>) dst(%dma_wait3A_172 : memref<10240x16xf32, #tpu.memory_space<vmem_shared>>)
        tpu.yield
      }) : () -> ()
      %add3A_115 = arith.constant 4 : i32
      %add3A_116 = arith.addi %add3A_108, %add3A_115 : i32
      %dma_start3A_117 = arith.constant 0 : i32
      %dma_start3A_118 = tpu.memref_slice %arg6[%add3A_116, %dma_start3A_117] : memref<80x128xi32, #tpu.memory_space<vmem>> -> memref<1x128xi32, #tpu.memory_space<vmem>>
      %dma_start3A_119 = tpu.memref_squeeze %dma_start3A_118 : memref<1x128xi32, #tpu.memory_space<vmem>> -> memref<128xi32, #tpu.memory_space<vmem>>
      %dma_start3A_120 = arith.constant 0 : i32
      %dma_start3A_121 = arith.constant 0 : i32
      %dma_start3A_122 = tpu.memref_slice %arg2[%dma_start3A_120, %dma_start3A_121] : memref<10000x16xf32, #tpu.memory_space<hbm>> -> memref<10000x16xf32, #tpu.memory_space<hbm>>
      tpu.enqueue_indirect_dma source(%dma_start3A_122 : memref<10000x16xf32, #tpu.memory_space<hbm>>) target(%arg9 : memref<128x16xf32, #tpu.memory_space<vmem>>) offsets(%dma_start3A_119 : memref<128xi32, #tpu.memory_space<vmem>>) semaphore(%arg14 : memref<!tpu.dma_semaphore, #tpu.memory_space<semaphore_mem>>)
      %mul3A_123 = arith.constant 4 : i32
      %mul3A_124 = arith.muli %mul3A_123, %scan3A_85 : i32
      %add3A_125 = arith.constant 2 : i32
      %add3A_126 = arith.addi %mul3A_124, %add3A_125 : i32
      %dma_wait3A_127 = arith.constant 0 : i32
      %dma_wait3A_128 = tpu.memref_slice %arg6[%add3A_126, %dma_wait3A_127] : memref<80x128xi32, #tpu.memory_space<vmem>> -> memref<1x128xi32, #tpu.memory_space<vmem>>
      %dma_wait3A_129 = tpu.memref_squeeze %dma_wait3A_128 : memref<1x128xi32, #tpu.memory_space<vmem>> -> memref<128xi32, #tpu.memory_space<vmem>>
      %dma_wait3A_130 = arith.constant 0 : i32
      %dma_wait3A_131 = arith.constant 0 : i32
      %dma_wait3A_132 = tpu.memref_slice %arg2[%dma_wait3A_130, %dma_wait3A_131] : memref<10000x16xf32, #tpu.memory_space<hbm>> -> memref<10000x16xf32, #tpu.memory_space<hbm>>
      tpu.wait_indirect_dma semaphore(%arg15 : memref<!tpu.dma_semaphore, #tpu.memory_space<semaphore_mem>>) src(%dma_wait3A_132 : memref<10000x16xf32, #tpu.memory_space<hbm>>) dst(%arg10 : memref<128x16xf32, #tpu.memory_space<vmem>>)
      "tpu.region"() ({
        %run_scoped3A_160 = tpu.sem_alloc : memref<!tpu.dma_semaphore, #tpu.memory_space<semaphore_mem>>
        %dma_start3A_161 = arith.constant 0 : i32
        %dma_start3A_162 = tpu.memref_slice %arg7[%add3A_126, %dma_start3A_161] : memref<80x128xi32, #tpu.memory_space<vmem>> -> memref<1x128xi32, #tpu.memory_space<vmem>>
        %dma_start3A_163 = tpu.memref_squeeze %dma_start3A_162 : memref<1x128xi32, #tpu.memory_space<vmem>> -> memref<128xi32, #tpu.memory_space<vmem>>
        %dma_start3A_164 = arith.constant 0 : i32
        %dma_start3A_165 = arith.constant 0 : i32
        %dma_start3A_166 = tpu.memref_slice %arg17[%dma_start3A_164, %dma_start3A_165] : memref<10240x16xf32, #tpu.memory_space<vmem_shared>> -> memref<10240x16xf32, #tpu.memory_space<vmem_shared>>
        tpu.enqueue_indirect_dma source(%arg10 : memref<128x16xf32, #tpu.memory_space<vmem>>) target(%dma_start3A_166 : memref<10240x16xf32, #tpu.memory_space<vmem_shared>>) offsets(%dma_start3A_163 : memref<128xi32, #tpu.memory_space<vmem>>) semaphore(%run_scoped3A_160 : memref<!tpu.dma_semaphore, #tpu.memory_space<semaphore_mem>>) {add = true}
        %dma_wait3A_167 = arith.constant 0 : i32
        %dma_wait3A_168 = tpu.memref_slice %arg7[%add3A_126, %dma_wait3A_167] : memref<80x128xi32, #tpu.memory_space<vmem>> -> memref<1x128xi32, #tpu.memory_space<vmem>>
        %dma_wait3A_169 = tpu.memref_squeeze %dma_wait3A_168 : memref<1x128xi32, #tpu.memory_space<vmem>> -> memref<128xi32, #tpu.memory_space<vmem>>
        %dma_wait3A_170 = arith.constant 0 : i32
        %dma_wait3A_171 = arith.constant 0 : i32
        %dma_wait3A_172 = tpu.memref_slice %arg17[%dma_wait3A_170, %dma_wait3A_171] : memref<10240x16xf32, #tpu.memory_space<vmem_shared>> -> memref<10240x16xf32, #tpu.memory_space<vmem_shared>>
        tpu.wait_indirect_dma semaphore(%run_scoped3A_160 : memref<!tpu.dma_semaphore, #tpu.memory_space<semaphore_mem>>) src(%arg10 : memref<128x16xf32, #tpu.memory_space<vmem>>) dst(%dma_wait3A_172 : memref<10240x16xf32, #tpu.memory_space<vmem_shared>>)
        tpu.yield
      }) : () -> ()
      %add3A_133 = arith.constant 4 : i32
      %add3A_134 = arith.addi %add3A_126, %add3A_133 : i32
      %dma_start3A_135 = arith.constant 0 : i32
      %dma_start3A_136 = tpu.memref_slice %arg6[%add3A_134, %dma_start3A_135] : memref<80x128xi32, #tpu.memory_space<vmem>> -> memref<1x128xi32, #tpu.memory_space<vmem>>
      %dma_start3A_137 = tpu.memref_squeeze %dma_start3A_136 : memref<1x128xi32, #tpu.memory_space<vmem>> -> memref<128xi32, #tpu.memory_space<vmem>>
      %dma_start3A_138 = arith.constant 0 : i32
      %dma_start3A_139 = arith.constant 0 : i32
      %dma_start3A_140 = tpu.memref_slice %arg2[%dma_start3A_138, %dma_start3A_139] : memref<10000x16xf32, #tpu.memory_space<hbm>> -> memref<10000x16xf32, #tpu.memory_space<hbm>>
      tpu.enqueue_indirect_dma source(%dma_start3A_140 : memref<10000x16xf32, #tpu.memory_space<hbm>>) target(%arg10 : memref<128x16xf32, #tpu.memory_space<vmem>>) offsets(%dma_start3A_137 : memref<128xi32, #tpu.memory_space<vmem>>) semaphore(%arg15 : memref<!tpu.dma_semaphore, #tpu.memory_space<semaphore_mem>>)
      %mul3A_141 = arith.constant 4 : i32
      %mul3A_142 = arith.muli %mul3A_141, %scan3A_85 : i32
      %add3A_143 = arith.constant 3 : i32
      %add3A_144 = arith.addi %mul3A_142, %add3A_143 : i32
      %dma_wait3A_145 = arith.constant 0 : i32
      %dma_wait3A_146 = tpu.memref_slice %arg6[%add3A_144, %dma_wait3A_145] : memref<80x128xi32, #tpu.memory_space<vmem>> -> memref<1x128xi32, #tpu.memory_space<vmem>>
      %dma_wait3A_147 = tpu.memref_squeeze %dma_wait3A_146 : memref<1x128xi32, #tpu.memory_space<vmem>> -> memref<128xi32, #tpu.memory_space<vmem>>
      %dma_wait3A_148 = arith.constant 0 : i32
      %dma_wait3A_149 = arith.constant 0 : i32
      %dma_wait3A_150 = tpu.memref_slice %arg2[%dma_wait3A_148, %dma_wait3A_149] : memref<10000x16xf32, #tpu.memory_space<hbm>> -> memref<10000x16xf32, #tpu.memory_space<hbm>>
      tpu.wait_indirect_dma semaphore(%arg16 : memref<!tpu.dma_semaphore, #tpu.memory_space<semaphore_mem>>) src(%dma_wait3A_150 : memref<10000x16xf32, #tpu.memory_space<hbm>>) dst(%arg11 : memref<128x16xf32, #tpu.memory_space<vmem>>)
      "tpu.region"() ({
        %run_scoped3A_160 = tpu.sem_alloc : memref<!tpu.dma_semaphore, #tpu.memory_space<semaphore_mem>>
        %dma_start3A_161 = arith.constant 0 : i32
        %dma_start3A_162 = tpu.memref_slice %arg7[%add3A_144, %dma_start3A_161] : memref<80x128xi32, #tpu.memory_space<vmem>> -> memref<1x128xi32, #tpu.memory_space<vmem>>
        %dma_start3A_163 = tpu.memref_squeeze %dma_start3A_162 : memref<1x128xi32, #tpu.memory_space<vmem>> -> memref<128xi32, #tpu.memory_space<vmem>>
        %dma_start3A_164 = arith.constant 0 : i32
        %dma_start3A_165 = arith.constant 0 : i32
        %dma_start3A_166 = tpu.memref_slice %arg17[%dma_start3A_164, %dma_start3A_165] : memref<10240x16xf32, #tpu.memory_space<vmem_shared>> -> memref<10240x16xf32, #tpu.memory_space<vmem_shared>>
        tpu.enqueue_indirect_dma source(%arg11 : memref<128x16xf32, #tpu.memory_space<vmem>>) target(%dma_start3A_166 : memref<10240x16xf32, #tpu.memory_space<vmem_shared>>) offsets(%dma_start3A_163 : memref<128xi32, #tpu.memory_space<vmem>>) semaphore(%run_scoped3A_160 : memref<!tpu.dma_semaphore, #tpu.memory_space<semaphore_mem>>) {add = true}
        %dma_wait3A_167 = arith.constant 0 : i32
        %dma_wait3A_168 = tpu.memref_slice %arg7[%add3A_144, %dma_wait3A_167] : memref<80x128xi32, #tpu.memory_space<vmem>> -> memref<1x128xi32, #tpu.memory_space<vmem>>
        %dma_wait3A_169 = tpu.memref_squeeze %dma_wait3A_168 : memref<1x128xi32, #tpu.memory_space<vmem>> -> memref<128xi32, #tpu.memory_space<vmem>>
        %dma_wait3A_170 = arith.constant 0 : i32
        %dma_wait3A_171 = arith.constant 0 : i32
        %dma_wait3A_172 = tpu.memref_slice %arg17[%dma_wait3A_170, %dma_wait3A_171] : memref<10240x16xf32, #tpu.memory_space<vmem_shared>> -> memref<10240x16xf32, #tpu.memory_space<vmem_shared>>
        tpu.wait_indirect_dma semaphore(%run_scoped3A_160 : memref<!tpu.dma_semaphore, #tpu.memory_space<semaphore_mem>>) src(%arg11 : memref<128x16xf32, #tpu.memory_space<vmem>>) dst(%dma_wait3A_172 : memref<10240x16xf32, #tpu.memory_space<vmem_shared>>)
        tpu.yield
      }) : () -> ()
      %add3A_151 = arith.constant 4 : i32
      %add3A_152 = arith.addi %add3A_144, %add3A_151 : i32
      %dma_start3A_153 = arith.constant 0 : i32
      %dma_start3A_154 = tpu.memref_slice %arg6[%add3A_152, %dma_start3A_153] : memref<80x128xi32, #tpu.memory_space<vmem>> -> memref<1x128xi32, #tpu.memory_space<vmem>>
      %dma_start3A_155 = tpu.memref_squeeze %dma_start3A_154 : memref<1x128xi32, #tpu.memory_space<vmem>> -> memref<128xi32, #tpu.memory_space<vmem>>
      %dma_start3A_156 = arith.constant 0 : i32
      %dma_start3A_157 = arith.constant 0 : i32
      %dma_start3A_158 = tpu.memref_slice %arg2[%dma_start3A_156, %dma_start3A_157] : memref<10000x16xf32, #tpu.memory_space<hbm>> -> memref<10000x16xf32, #tpu.memory_space<hbm>>
      tpu.enqueue_indirect_dma source(%dma_start3A_158 : memref<10000x16xf32, #tpu.memory_space<hbm>>) target(%arg11 : memref<128x16xf32, #tpu.memory_space<vmem>>) offsets(%dma_start3A_155 : memref<128xi32, #tpu.memory_space<vmem>>) semaphore(%arg16 : memref<!tpu.dma_semaphore, #tpu.memory_space<semaphore_mem>>)
      %scan3A_159 = arith.constant 0 : i32
      scf.yield %scan3A_159 : i32
    }
    %scan3A_46 = arith.constant 19 : i32
    %dma_wait3A = arith.constant 76 : i32
    %dma_wait3A_47 = arith.constant 0 : i32
    %dma_wait3A_48 = tpu.memref_slice %arg6[%dma_wait3A, %dma_wait3A_47] : memref<80x128xi32, #tpu.memory_space<vmem>> -> memref<1x128xi32, #tpu.memory_space<vmem>>
    %dma_wait3A_49 = tpu.memref_squeeze %dma_wait3A_48 : memref<1x128xi32, #tpu.memory_space<vmem>> -> memref<128xi32, #tpu.memory_space<vmem>>
    %dma_wait3A_50 = arith.constant 0 : i32
    %dma_wait3A_51 = arith.constant 0 : i32
    %dma_wait3A_52 = tpu.memref_slice %arg2[%dma_wait3A_50, %dma_wait3A_51] : memref<10000x16xf32, #tpu.memory_space<hbm>> -> memref<10000x16xf32, #tpu.memory_space<hbm>>
    tpu.wait_indirect_dma semaphore(%arg13 : memref<!tpu.dma_semaphore, #tpu.memory_space<semaphore_mem>>) src(%dma_wait3A_52 : memref<10000x16xf32, #tpu.memory_space<hbm>>) dst(%arg8 : memref<128x16xf32, #tpu.memory_space<vmem>>)
    %run_scoped3A = arith.constant 76 : i32
    "tpu.region"() ({
      %run_scoped3A_85 = tpu.sem_alloc : memref<!tpu.dma_semaphore, #tpu.memory_space<semaphore_mem>>
      %dma_start3A_86 = arith.constant 0 : i32
      %dma_start3A_87 = tpu.memref_slice %arg7[%run_scoped3A, %dma_start3A_86] : memref<80x128xi32, #tpu.memory_space<vmem>> -> memref<1x128xi32, #tpu.memory_space<vmem>>
      %dma_start3A_88 = tpu.memref_squeeze %dma_start3A_87 : memref<1x128xi32, #tpu.memory_space<vmem>> -> memref<128xi32, #tpu.memory_space<vmem>>
      %dma_start3A_89 = arith.constant 0 : i32
      %dma_start3A_90 = arith.constant 0 : i32
      %dma_start3A_91 = tpu.memref_slice %arg17[%dma_start3A_89, %dma_start3A_90] : memref<10240x16xf32, #tpu.memory_space<vmem_shared>> -> memref<10240x16xf32, #tpu.memory_space<vmem_shared>>
      tpu.enqueue_indirect_dma source(%arg8 : memref<128x16xf32, #tpu.memory_space<vmem>>) target(%dma_start3A_91 : memref<10240x16xf32, #tpu.memory_space<vmem_shared>>) offsets(%dma_start3A_88 : memref<128xi32, #tpu.memory_space<vmem>>) semaphore(%run_scoped3A_85 : memref<!tpu.dma_semaphore, #tpu.memory_space<semaphore_mem>>) {add = true}
      %dma_wait3A_92 = arith.constant 0 : i32
      %dma_wait3A_93 = tpu.memref_slice %arg7[%run_scoped3A, %dma_wait3A_92] : memref<80x128xi32, #tpu.memory_space<vmem>> -> memref<1x128xi32, #tpu.memory_space<vmem>>
      %dma_wait3A_94 = tpu.memref_squeeze %dma_wait3A_93 : memref<1x128xi32, #tpu.memory_space<vmem>> -> memref<128xi32, #tpu.memory_space<vmem>>
      %dma_wait3A_95 = arith.constant 0 : i32
      %dma_wait3A_96 = arith.constant 0 : i32
      %dma_wait3A_97 = tpu.memref_slice %arg17[%dma_wait3A_95, %dma_wait3A_96] : memref<10240x16xf32, #tpu.memory_space<vmem_shared>> -> memref<10240x16xf32, #tpu.memory_space<vmem_shared>>
      tpu.wait_indirect_dma semaphore(%run_scoped3A_85 : memref<!tpu.dma_semaphore, #tpu.memory_space<semaphore_mem>>) src(%arg8 : memref<128x16xf32, #tpu.memory_space<vmem>>) dst(%dma_wait3A_97 : memref<10240x16xf32, #tpu.memory_space<vmem_shared>>)
      tpu.yield
    }) : () -> ()
    %dma_wait3A_53 = arith.constant 77 : i32
    %dma_wait3A_54 = arith.constant 0 : i32
    %dma_wait3A_55 = tpu.memref_slice %arg6[%dma_wait3A_53, %dma_wait3A_54] : memref<80x128xi32, #tpu.memory_space<vmem>> -> memref<1x128xi32, #tpu.memory_space<vmem>>
    %dma_wait3A_56 = tpu.memref_squeeze %dma_wait3A_55 : memref<1x128xi32, #tpu.memory_space<vmem>> -> memref<128xi32, #tpu.memory_space<vmem>>
    %dma_wait3A_57 = arith.constant 0 : i32
    %dma_wait3A_58 = arith.constant 0 : i32
    %dma_wait3A_59 = tpu.memref_slice %arg2[%dma_wait3A_57, %dma_wait3A_58] : memref<10000x16xf32, #tpu.memory_space<hbm>> -> memref<10000x16xf32, #tpu.memory_space<hbm>>
    tpu.wait_indirect_dma semaphore(%arg14 : memref<!tpu.dma_semaphore, #tpu.memory_space<semaphore_mem>>) src(%dma_wait3A_59 : memref<10000x16xf32, #tpu.memory_space<hbm>>) dst(%arg9 : memref<128x16xf32, #tpu.memory_space<vmem>>)
    %run_scoped3A_60 = arith.constant 77 : i32
    "tpu.region"() ({
      %run_scoped3A_85 = tpu.sem_alloc : memref<!tpu.dma_semaphore, #tpu.memory_space<semaphore_mem>>
      %dma_start3A_86 = arith.constant 0 : i32
      %dma_start3A_87 = tpu.memref_slice %arg7[%run_scoped3A_60, %dma_start3A_86] : memref<80x128xi32, #tpu.memory_space<vmem>> -> memref<1x128xi32, #tpu.memory_space<vmem>>
      %dma_start3A_88 = tpu.memref_squeeze %dma_start3A_87 : memref<1x128xi32, #tpu.memory_space<vmem>> -> memref<128xi32, #tpu.memory_space<vmem>>
      %dma_start3A_89 = arith.constant 0 : i32
      %dma_start3A_90 = arith.constant 0 : i32
      %dma_start3A_91 = tpu.memref_slice %arg17[%dma_start3A_89, %dma_start3A_90] : memref<10240x16xf32, #tpu.memory_space<vmem_shared>> -> memref<10240x16xf32, #tpu.memory_space<vmem_shared>>
      tpu.enqueue_indirect_dma source(%arg9 : memref<128x16xf32, #tpu.memory_space<vmem>>) target(%dma_start3A_91 : memref<10240x16xf32, #tpu.memory_space<vmem_shared>>) offsets(%dma_start3A_88 : memref<128xi32, #tpu.memory_space<vmem>>) semaphore(%run_scoped3A_85 : memref<!tpu.dma_semaphore, #tpu.memory_space<semaphore_mem>>) {add = true}
      %dma_wait3A_92 = arith.constant 0 : i32
      %dma_wait3A_93 = tpu.memref_slice %arg7[%run_scoped3A_60, %dma_wait3A_92] : memref<80x128xi32, #tpu.memory_space<vmem>> -> memref<1x128xi32, #tpu.memory_space<vmem>>
      %dma_wait3A_94 = tpu.memref_squeeze %dma_wait3A_93 : memref<1x128xi32, #tpu.memory_space<vmem>> -> memref<128xi32, #tpu.memory_space<vmem>>
      %dma_wait3A_95 = arith.constant 0 : i32
      %dma_wait3A_96 = arith.constant 0 : i32
      %dma_wait3A_97 = tpu.memref_slice %arg17[%dma_wait3A_95, %dma_wait3A_96] : memref<10240x16xf32, #tpu.memory_space<vmem_shared>> -> memref<10240x16xf32, #tpu.memory_space<vmem_shared>>
      tpu.wait_indirect_dma semaphore(%run_scoped3A_85 : memref<!tpu.dma_semaphore, #tpu.memory_space<semaphore_mem>>) src(%arg9 : memref<128x16xf32, #tpu.memory_space<vmem>>) dst(%dma_wait3A_97 : memref<10240x16xf32, #tpu.memory_space<vmem_shared>>)
      tpu.yield
    }) : () -> ()
    %dma_wait3A_61 = arith.constant 78 : i32
    %dma_wait3A_62 = arith.constant 0 : i32
    %dma_wait3A_63 = tpu.memref_slice %arg6[%dma_wait3A_61, %dma_wait3A_62] : memref<80x128xi32, #tpu.memory_space<vmem>> -> memref<1x128xi32, #tpu.memory_space<vmem>>
    %dma_wait3A_64 = tpu.memref_squeeze %dma_wait3A_63 : memref<1x128xi32, #tpu.memory_space<vmem>> -> memref<128xi32, #tpu.memory_space<vmem>>
    %dma_wait3A_65 = arith.constant 0 : i32
    %dma_wait3A_66 = arith.constant 0 : i32
    %dma_wait3A_67 = tpu.memref_slice %arg2[%dma_wait3A_65, %dma_wait3A_66] : memref<10000x16xf32, #tpu.memory_space<hbm>> -> memref<10000x16xf32, #tpu.memory_space<hbm>>
    tpu.wait_indirect_dma semaphore(%arg15 : memref<!tpu.dma_semaphore, #tpu.memory_space<semaphore_mem>>) src(%dma_wait3A_67 : memref<10000x16xf32, #tpu.memory_space<hbm>>) dst(%arg10 : memref<128x16xf32, #tpu.memory_space<vmem>>)
    %run_scoped3A_68 = arith.constant 78 : i32
    "tpu.region"() ({
      %run_scoped3A_85 = tpu.sem_alloc : memref<!tpu.dma_semaphore, #tpu.memory_space<semaphore_mem>>
      %dma_start3A_86 = arith.constant 0 : i32
      %dma_start3A_87 = tpu.memref_slice %arg7[%run_scoped3A_68, %dma_start3A_86] : memref<80x128xi32, #tpu.memory_space<vmem>> -> memref<1x128xi32, #tpu.memory_space<vmem>>
      %dma_start3A_88 = tpu.memref_squeeze %dma_start3A_87 : memref<1x128xi32, #tpu.memory_space<vmem>> -> memref<128xi32, #tpu.memory_space<vmem>>
      %dma_start3A_89 = arith.constant 0 : i32
      %dma_start3A_90 = arith.constant 0 : i32
      %dma_start3A_91 = tpu.memref_slice %arg17[%dma_start3A_89, %dma_start3A_90] : memref<10240x16xf32, #tpu.memory_space<vmem_shared>> -> memref<10240x16xf32, #tpu.memory_space<vmem_shared>>
      tpu.enqueue_indirect_dma source(%arg10 : memref<128x16xf32, #tpu.memory_space<vmem>>) target(%dma_start3A_91 : memref<10240x16xf32, #tpu.memory_space<vmem_shared>>) offsets(%dma_start3A_88 : memref<128xi32, #tpu.memory_space<vmem>>) semaphore(%run_scoped3A_85 : memref<!tpu.dma_semaphore, #tpu.memory_space<semaphore_mem>>) {add = true}
      %dma_wait3A_92 = arith.constant 0 : i32
      %dma_wait3A_93 = tpu.memref_slice %arg7[%run_scoped3A_68, %dma_wait3A_92] : memref<80x128xi32, #tpu.memory_space<vmem>> -> memref<1x128xi32, #tpu.memory_space<vmem>>
      %dma_wait3A_94 = tpu.memref_squeeze %dma_wait3A_93 : memref<1x128xi32, #tpu.memory_space<vmem>> -> memref<128xi32, #tpu.memory_space<vmem>>
      %dma_wait3A_95 = arith.constant 0 : i32
      %dma_wait3A_96 = arith.constant 0 : i32
      %dma_wait3A_97 = tpu.memref_slice %arg17[%dma_wait3A_95, %dma_wait3A_96] : memref<10240x16xf32, #tpu.memory_space<vmem_shared>> -> memref<10240x16xf32, #tpu.memory_space<vmem_shared>>
      tpu.wait_indirect_dma semaphore(%run_scoped3A_85 : memref<!tpu.dma_semaphore, #tpu.memory_space<semaphore_mem>>) src(%arg10 : memref<128x16xf32, #tpu.memory_space<vmem>>) dst(%dma_wait3A_97 : memref<10240x16xf32, #tpu.memory_space<vmem_shared>>)
      tpu.yield
    }) : () -> ()
    %dma_wait3A_69 = arith.constant 79 : i32
    %dma_wait3A_70 = arith.constant 0 : i32
    %dma_wait3A_71 = tpu.memref_slice %arg6[%dma_wait3A_69, %dma_wait3A_70] : memref<80x128xi32, #tpu.memory_space<vmem>> -> memref<1x128xi32, #tpu.memory_space<vmem>>
    %dma_wait3A_72 = tpu.memref_squeeze %dma_wait3A_71 : memref<1x128xi32, #tpu.memory_space<vmem>> -> memref<128xi32, #tpu.memory_space<vmem>>
    %dma_wait3A_73 = arith.constant 0 : i32
    %dma_wait3A_74 = arith.constant 0 : i32
    %dma_wait3A_75 = tpu.memref_slice %arg2[%dma_wait3A_73, %dma_wait3A_74] : memref<10000x16xf32, #tpu.memory_space<hbm>> -> memref<10000x16xf32, #tpu.memory_space<hbm>>
    tpu.wait_indirect_dma semaphore(%arg16 : memref<!tpu.dma_semaphore, #tpu.memory_space<semaphore_mem>>) src(%dma_wait3A_75 : memref<10000x16xf32, #tpu.memory_space<hbm>>) dst(%arg11 : memref<128x16xf32, #tpu.memory_space<vmem>>)
    %run_scoped3A_76 = arith.constant 79 : i32
    "tpu.region"() ({
      %run_scoped3A_85 = tpu.sem_alloc : memref<!tpu.dma_semaphore, #tpu.memory_space<semaphore_mem>>
      %dma_start3A_86 = arith.constant 0 : i32
      %dma_start3A_87 = tpu.memref_slice %arg7[%run_scoped3A_76, %dma_start3A_86] : memref<80x128xi32, #tpu.memory_space<vmem>> -> memref<1x128xi32, #tpu.memory_space<vmem>>
      %dma_start3A_88 = tpu.memref_squeeze %dma_start3A_87 : memref<1x128xi32, #tpu.memory_space<vmem>> -> memref<128xi32, #tpu.memory_space<vmem>>
      %dma_start3A_89 = arith.constant 0 : i32
      %dma_start3A_90 = arith.constant 0 : i32
      %dma_start3A_91 = tpu.memref_slice %arg17[%dma_start3A_89, %dma_start3A_90] : memref<10240x16xf32, #tpu.memory_space<vmem_shared>> -> memref<10240x16xf32, #tpu.memory_space<vmem_shared>>
      tpu.enqueue_indirect_dma source(%arg11 : memref<128x16xf32, #tpu.memory_space<vmem>>) target(%dma_start3A_91 : memref<10240x16xf32, #tpu.memory_space<vmem_shared>>) offsets(%dma_start3A_88 : memref<128xi32, #tpu.memory_space<vmem>>) semaphore(%run_scoped3A_85 : memref<!tpu.dma_semaphore, #tpu.memory_space<semaphore_mem>>) {add = true}
      %dma_wait3A_92 = arith.constant 0 : i32
      %dma_wait3A_93 = tpu.memref_slice %arg7[%run_scoped3A_76, %dma_wait3A_92] : memref<80x128xi32, #tpu.memory_space<vmem>> -> memref<1x128xi32, #tpu.memory_space<vmem>>
      %dma_wait3A_94 = tpu.memref_squeeze %dma_wait3A_93 : memref<1x128xi32, #tpu.memory_space<vmem>> -> memref<128xi32, #tpu.memory_space<vmem>>
      %dma_wait3A_95 = arith.constant 0 : i32
      %dma_wait3A_96 = arith.constant 0 : i32
      %dma_wait3A_97 = tpu.memref_slice %arg17[%dma_wait3A_95, %dma_wait3A_96] : memref<10240x16xf32, #tpu.memory_space<vmem_shared>> -> memref<10240x16xf32, #tpu.memory_space<vmem_shared>>
      tpu.wait_indirect_dma semaphore(%run_scoped3A_85 : memref<!tpu.dma_semaphore, #tpu.memory_space<semaphore_mem>>) src(%arg11 : memref<128x16xf32, #tpu.memory_space<vmem>>) dst(%dma_wait3A_97 : memref<10240x16xf32, #tpu.memory_space<vmem_shared>>)
      tpu.yield
    }) : () -> ()
    %barrier3A_77 = arith.constant 0 : index
    tpu.barrier barrier_id(%barrier3A_77)
    %mul3A_78 = arith.constant 640 : i32
    %mul3A_79 = arith.muli %arg1, %mul3A_78 : i32
    "tpu.region"() ({
      %run_scoped3A_85 = tpu.sem_alloc : memref<!tpu.dma_semaphore, #tpu.memory_space<semaphore_mem>>
      %dma_start3A_86 = arith.constant 0 : i32
      %dma_start3A_87 = tpu.memref_slice %arg17[%mul3A_79, %dma_start3A_86] : memref<10240x16xf32, #tpu.memory_space<vmem_shared>> -> memref<640x16xf32, #tpu.memory_space<vmem_shared>>
      %dma_start3A_88 = arith.constant 0 : i32
      %dma_start3A_89 = tpu.memref_slice %arg17[%mul3A_79, %dma_start3A_88] : memref<10240x16xf32, #tpu.memory_space<vmem_shared>> -> memref<640x16xf32, #tpu.memory_space<vmem_shared>>
      tpu.enqueue_dma source(%dma_start3A_89 : memref<640x16xf32, #tpu.memory_space<vmem_shared>>) target(%arg12 : memref<640x16xf32, #tpu.memory_space<vmem>>) target_semaphore(%run_scoped3A_85 : memref<!tpu.dma_semaphore, #tpu.memory_space<semaphore_mem>>)
      %dma_wait3A_90 = arith.constant 0 : i32
      %dma_wait3A_91 = tpu.memref_slice %arg17[%mul3A_79, %dma_wait3A_90] : memref<10240x16xf32, #tpu.memory_space<vmem_shared>> -> memref<640x16xf32, #tpu.memory_space<vmem_shared>>
      %dma_wait3A_92 = arith.constant 0 : i32
      %dma_wait3A_93 = tpu.memref_slice %arg17[%mul3A_79, %dma_wait3A_92] : memref<10240x16xf32, #tpu.memory_space<vmem_shared>> -> memref<640x16xf32, #tpu.memory_space<vmem_shared>>
      tpu.wait_dma2 semaphore(%run_scoped3A_85 : memref<!tpu.dma_semaphore, #tpu.memory_space<semaphore_mem>>) src(%dma_wait3A_93 : memref<640x16xf32, #tpu.memory_space<vmem_shared>>) dst(%arg12 : memref<640x16xf32, #tpu.memory_space<vmem>>)
      tpu.yield
    }) : () -> ()
    %mul3A_80 = arith.constant 10240 : i32
    %mul3A_81 = arith.muli %arg0, %mul3A_80 : i32
    %mul3A_82 = arith.constant 640 : i32
    %mul3A_83 = arith.muli %arg1, %mul3A_82 : i32
    %add3A_84 = arith.addi %mul3A_81, %mul3A_83 : i32
    "tpu.region"() ({
      %run_scoped3A_85 = tpu.sem_alloc : memref<!tpu.dma_semaphore, #tpu.memory_space<semaphore_mem>>
      %dma_start3A_86 = arith.constant 0 : i32
      %dma_start3A_87 = tpu.memref_slice %arg5[%add3A_84, %dma_start3A_86] : memref<20480x16xf32, #tpu.memory_space<hbm>> -> memref<640x16xf32, #tpu.memory_space<hbm>>
      %dma_start3A_88 = arith.constant 0 : i32
      %dma_start3A_89 = tpu.memref_slice %arg5[%add3A_84, %dma_start3A_88] : memref<20480x16xf32, #tpu.memory_space<hbm>> -> memref<640x16xf32, #tpu.memory_space<hbm>>
      tpu.enqueue_dma source(%arg12 : memref<640x16xf32, #tpu.memory_space<vmem>>) target(%dma_start3A_89 : memref<640x16xf32, #tpu.memory_space<hbm>>) target_semaphore(%run_scoped3A_85 : memref<!tpu.dma_semaphore, #tpu.memory_space<semaphore_mem>>)
      %dma_wait3A_90 = arith.constant 0 : i32
      %dma_wait3A_91 = tpu.memref_slice %arg5[%add3A_84, %dma_wait3A_90] : memref<20480x16xf32, #tpu.memory_space<hbm>> -> memref<640x16xf32, #tpu.memory_space<hbm>>
      %dma_wait3A_92 = arith.constant 0 : i32
      %dma_wait3A_93 = tpu.memref_slice %arg5[%add3A_84, %dma_wait3A_92] : memref<20480x16xf32, #tpu.memory_space<hbm>> -> memref<640x16xf32, #tpu.memory_space<hbm>>
      tpu.wait_dma2 semaphore(%run_scoped3A_85 : memref<!tpu.dma_semaphore, #tpu.memory_space<semaphore_mem>>) src(%arg12 : memref<640x16xf32, #tpu.memory_space<vmem>>) dst(%dma_wait3A_93 : memref<640x16xf32, #tpu.memory_space<hbm>>)
      tpu.yield
    }) : () -> ()
    return
  }
}

module attributes {stable_mosaic.version = 14 : i64} {
  func.func @_mm1_body(%arg0: i32, %arg1: memref<2000x128xf32, #tpu.memory_space<vmem>>, %arg2: memref<128x16xf32, #tpu.memory_space<vmem>>, %arg3: memref<2000x16xf32, #tpu.memory_space<vmem>>) attributes {dimension_semantics = [#tpu.dimension_semantics<arbitrary>], iteration_bounds = array<i64: 5>, scalar_prefetch = 0 : i64, scratch_operands = 0 : i64, tpu.core_type = #tpu.core_type<tc>, window_params = [{transform_indices = @transform_0, window_bounds = array<i64: 2000, 128>}, {pipeline_mode = #tpu.pipeline_mode<synchronous>, transform_indices = @transform_1, window_bounds = array<i64: 128, 16>}, {transform_indices = @transform_2, window_bounds = array<i64: 2000, 16>}]} {
    %get3A = arith.constant 0 : index
    %get3A_0 = arith.constant 0 : index
    %get3A_1 = vector.load %arg1[%get3A, %get3A_0] : memref<2000x128xf32, #tpu.memory_space<vmem>>, vector<2000x128xf32>
    %get3A_2 = arith.constant 0 : index
    %get3A_3 = arith.constant 0 : index
    %get3A_4 = vector.load %arg2[%get3A_2, %get3A_3] : memref<128x16xf32, #tpu.memory_space<vmem>>, vector<128x16xf32>
    %dot_general3A = arith.constant dense<0.000000e+00> : vector<2000x16xf32>
    %dot_general3A_5 = tpu.matmul %get3A_1, %get3A_4, %dot_general3A {dimension_numbers = #tpu.dot_dimension_numbers<[1], [0], [0], [1], [0, 0, 1, 1], [], []>, transpose_lhs_hint = false} : vector<2000x128xf32>, vector<128x16xf32>, vector<2000x16xf32> -> vector<2000x16xf32>
    %swap3A = arith.constant 0 : index
    %swap3A_6 = arith.constant 0 : index
    %swap3A_7 = vector.load %arg3[%swap3A, %swap3A_6] : memref<2000x16xf32, #tpu.memory_space<vmem>>, vector<2000x16xf32>
    tpu.vector_store %arg3[%swap3A, %swap3A_6], %dot_general3A_5 {strides = array<i32>} : memref<2000x16xf32, #tpu.memory_space<vmem>>, vector<2000x16xf32>,
    return
  }
  func.func @transform_0(%arg0: i32) -> (i32, i32) {
    %c0_i32 = arith.constant 0 : i32
    %c0_i32_0 = arith.constant 0 : i32
    return %arg0, %c0_i32 : i32, i32
  }
  func.func @transform_1(%arg0: i32) -> (i32, i32) {
    %c0_i32 = arith.constant 0 : i32
    %c0_i32_0 = arith.constant 0 : i32
    %c0_i32_1 = arith.constant 0 : i32
    return %c0_i32, %c0_i32_0 : i32, i32
  }
  func.func @transform_2(%arg0: i32) -> (i32, i32) {
    %c0_i32 = arith.constant 0 : i32
    %c0_i32_0 = arith.constant 0 : i32
    return %arg0, %c0_i32 : i32, i32
  }
}

module attributes {stable_mosaic.version = 14 : i64} {
  func.func @_dinv_body(%arg0: i32, %arg1: memref<2x10240xf32, #tpu.memory_space<vmem>>, %arg2: memref<10240x1xf32, #tpu.memory_space<vmem>>) attributes {dimension_semantics = [#tpu.dimension_semantics<arbitrary>], iteration_bounds = array<i64: 1>, scalar_prefetch = 0 : i64, scratch_operands = 0 : i64, tpu.core_type = #tpu.core_type<tc>, window_params = [{pipeline_mode = #tpu.pipeline_mode<synchronous>, transform_indices = @transform_0, window_bounds = array<i64: 2, 10240>}, {pipeline_mode = #tpu.pipeline_mode<synchronous>, transform_indices = @transform_1, window_bounds = array<i64: 10240, 1>}]} {
    %get3A = arith.constant 0 : index
    %get3A_0 = arith.constant 0 : index
    %get3A_1 = vector.load %arg1[%get3A, %get3A_0] : memref<2x10240xf32, #tpu.memory_space<vmem>>, vector<1x10240xf32>
    %get3A_2 = vector.shape_cast %get3A_1 : vector<1x10240xf32> to vector<10240xf32>
    %get3A_3 = arith.constant 1 : index
    %get3A_4 = arith.constant 0 : index
    %get3A_5 = vector.load %arg1[%get3A_3, %get3A_4] : memref<2x10240xf32, #tpu.memory_space<vmem>>, vector<1x10240xf32>
    %get3A_6 = vector.shape_cast %get3A_5 : vector<1x10240xf32> to vector<10240xf32>
    %add3A = arith.addf %get3A_2, %get3A_6 : vector<10240xf32>
    %add3A_7 = arith.constant 1.000000e+00 : f32
    %add3A_8 = vector.broadcast %add3A_7 : f32 to vector<10240xf32>
    %add3A_9 = arith.addf %add3A, %add3A_8 : vector<10240xf32>
    %rsqrt3A = math.rsqrt %add3A_9 : vector<10240xf32>
    %broadcast_in_dim3A = vector.shape_cast %rsqrt3A : vector<10240xf32> to vector<10240x1xf32>
    %swap3A = arith.constant 0 : index
    %swap3A_10 = arith.constant 0 : index
    %swap3A_11 = vector.load %arg2[%swap3A, %swap3A_10] : memref<10240x1xf32, #tpu.memory_space<vmem>>, vector<10240x1xf32>
    tpu.vector_store %arg2[%swap3A, %swap3A_10], %broadcast_in_dim3A {strides = array<i32>} : memref<10240x1xf32, #tpu.memory_space<vmem>>, vector<10240x1xf32>,
    return
  }
  func.func @transform_0(%arg0: i32) -> (i32, i32) {
    %c0_i32 = arith.constant 0 : i32
    %c0_i32_0 = arith.constant 0 : i32
    %c0_i32_1 = arith.constant 0 : i32
    return %c0_i32, %c0_i32_0 : i32, i32
  }
  func.func @transform_1(%arg0: i32) -> (i32, i32) {
    %c0_i32 = arith.constant 0 : i32
    %c0_i32_0 = arith.constant 0 : i32
    %c0_i32_1 = arith.constant 0 : i32
    return %c0_i32, %c0_i32_0 : i32, i32
  }
}

module attributes {stable_mosaic.version = 14 : i64} {
  func.func @_scale_body(%arg0: i32, %arg1: memref<2000x1xf32, #tpu.memory_space<vmem>>, %arg2: memref<2000x16xf32, #tpu.memory_space<vmem>>, %arg3: memref<2000x16xf32, #tpu.memory_space<vmem>>) attributes {dimension_semantics = [#tpu.dimension_semantics<arbitrary>], iteration_bounds = array<i64: 5>, scalar_prefetch = 0 : i64, scratch_operands = 0 : i64, tpu.core_type = #tpu.core_type<tc>, window_params = [{transform_indices = @transform_0, window_bounds = array<i64: 2000, 1>}, {transform_indices = @transform_1, window_bounds = array<i64: 2000, 16>}, {transform_indices = @transform_2, window_bounds = array<i64: 2000, 16>}]} {
    %get3A = arith.constant 0 : index
    %get3A_0 = arith.constant 0 : index
    %get3A_1 = vector.load %arg2[%get3A, %get3A_0] : memref<2000x16xf32, #tpu.memory_space<vmem>>, vector<2000x16xf32>
    %get3A_2 = arith.constant 0 : index
    %get3A_3 = arith.constant 0 : index
    %get3A_4 = vector.load %arg1[%get3A_2, %get3A_3] : memref<2000x1xf32, #tpu.memory_space<vmem>>, vector<2000x1xf32>
    %mul3A = vector.broadcast %get3A_4 : vector<2000x1xf32> to vector<2000x16xf32>
    %mul3A_5 = arith.mulf %get3A_1, %mul3A : vector<2000x16xf32>
    %swap3A = arith.constant 0 : index
    %swap3A_6 = arith.constant 0 : index
    %swap3A_7 = vector.load %arg3[%swap3A, %swap3A_6] : memref<2000x16xf32, #tpu.memory_space<vmem>>, vector<2000x16xf32>
    tpu.vector_store %arg3[%swap3A, %swap3A_6], %mul3A_5 {strides = array<i32>} : memref<2000x16xf32, #tpu.memory_space<vmem>>, vector<2000x16xf32>,
    return
  }
  func.func @transform_0(%arg0: i32) -> (i32, i32) {
    %c0_i32 = arith.constant 0 : i32
    %c0_i32_0 = arith.constant 0 : i32
    return %arg0, %c0_i32 : i32, i32
  }
  func.func @transform_1(%arg0: i32) -> (i32, i32) {
    %c0_i32 = arith.constant 0 : i32
    %c0_i32_0 = arith.constant 0 : i32
    return %arg0, %c0_i32 : i32, i32
  }
  func.func @transform_2(%arg0: i32) -> (i32, i32) {
    %c0_i32 = arith.constant 0 : i32
    %c0_i32_0 = arith.constant 0 : i32
    return %arg0, %c0_i32 : i32, i32
  }
}

module attributes {stable_mosaic.version = 14 : i64} {
  func.func @_post1_body(%arg0: i32, %arg1: memref<2000x1xf32, #tpu.memory_space<vmem>>, %arg2: memref<2x2000x16xf32, #tpu.memory_space<vmem>>, %arg3: memref<2000x16xf32, #tpu.memory_space<vmem>>, %arg4: memref<1x16xf32, #tpu.memory_space<vmem>>, %arg5: memref<2000x16xf32, #tpu.memory_space<vmem>>) attributes {dimension_semantics = [#tpu.dimension_semantics<arbitrary>], iteration_bounds = array<i64: 5>, scalar_prefetch = 0 : i64, scratch_operands = 0 : i64, tpu.core_type = #tpu.core_type<tc>, window_params = [{transform_indices = @transform_0, window_bounds = array<i64: 2000, 1>}, {transform_indices = @transform_1, window_bounds = array<i64: 2, 2000, 16>}, {transform_indices = @transform_2, window_bounds = array<i64: 2000, 16>}, {pipeline_mode = #tpu.pipeline_mode<synchronous>, transform_indices = @transform_3, window_bounds = array<i64: 1, 16>}, {transform_indices = @transform_4, window_bounds = array<i64: 2000, 16>}]} {
    %get3A = arith.constant 0 : index
    %get3A_0 = arith.constant 0 : index
    %get3A_1 = vector.load %arg1[%get3A, %get3A_0] : memref<2000x1xf32, #tpu.memory_space<vmem>>, vector<2000x1xf32>
    %get3A_2 = arith.constant 0 : index
    %get3A_3 = arith.constant 0 : index
    %get3A_4 = arith.constant 0 : index
    %get3A_5 = vector.load %arg2[%get3A_2, %get3A_3, %get3A_4] : memref<2x2000x16xf32, #tpu.memory_space<vmem>>, vector<1x2000x16xf32>
    %get3A_6 = vector.shape_cast %get3A_5 : vector<1x2000x16xf32> to vector<2000x16xf32>
    %get3A_7 = arith.constant 1 : index
    %get3A_8 = arith.constant 0 : index
    %get3A_9 = arith.constant 0 : index
    %get3A_10 = vector.load %arg2[%get3A_7, %get3A_8, %get3A_9] : memref<2x2000x16xf32, #tpu.memory_space<vmem>>, vector<1x2000x16xf32>
    %get3A_11 = vector.shape_cast %get3A_10 : vector<1x2000x16xf32> to vector<2000x16xf32>
    %add3A = arith.addf %get3A_6, %get3A_11 : vector<2000x16xf32>
    %get3A_12 = arith.constant 0 : index
    %get3A_13 = arith.constant 0 : index
    %get3A_14 = vector.load %arg3[%get3A_12, %get3A_13] : memref<2000x16xf32, #tpu.memory_space<vmem>>, vector<2000x16xf32>
    %add3A_15 = arith.addf %add3A, %get3A_14 : vector<2000x16xf32>
    %mul3A = vector.broadcast %get3A_1 : vector<2000x1xf32> to vector<2000x16xf32>
    %mul3A_16 = arith.mulf %add3A_15, %mul3A : vector<2000x16xf32>
    %get3A_17 = arith.constant 0 : index
    %get3A_18 = arith.constant 0 : index
    %get3A_19 = vector.load %arg4[%get3A_17, %get3A_18] : memref<1x16xf32, #tpu.memory_space<vmem>>, vector<1x16xf32>
    %add3A_20 = vector.broadcast %get3A_19 : vector<1x16xf32> to vector<2000x16xf32>
    %add3A_21 = arith.addf %mul3A_16, %add3A_20 : vector<2000x16xf32>
    %max3A = arith.constant 0.000000e+00 : f32
    %max3A_22 = vector.broadcast %max3A : f32 to vector<2000x16xf32>
    %max3A_23 = arith.maximumf %add3A_21, %max3A_22 : vector<2000x16xf32>
    %mul3A_24 = vector.broadcast %get3A_1 : vector<2000x1xf32> to vector<2000x16xf32>
    %mul3A_25 = arith.mulf %max3A_23, %mul3A_24 : vector<2000x16xf32>
    %swap3A = arith.constant 0 : index
    %swap3A_26 = arith.constant 0 : index
    %swap3A_27 = vector.load %arg5[%swap3A, %swap3A_26] : memref<2000x16xf32, #tpu.memory_space<vmem>>, vector<2000x16xf32>
    tpu.vector_store %arg5[%swap3A, %swap3A_26], %mul3A_25 {strides = array<i32>} : memref<2000x16xf32, #tpu.memory_space<vmem>>, vector<2000x16xf32>,
    return
  }
  func.func @transform_0(%arg0: i32) -> (i32, i32) {
    %c0_i32 = arith.constant 0 : i32
    %c0_i32_0 = arith.constant 0 : i32
    return %arg0, %c0_i32 : i32, i32
  }
  func.func @transform_1(%arg0: i32) -> (i32, i32, i32) {
    %c0_i32 = arith.constant 0 : i32
    %c0_i32_0 = arith.constant 0 : i32
    %c0_i32_1 = arith.constant 0 : i32
    return %c0_i32, %arg0, %c0_i32_0 : i32, i32, i32
  }
  func.func @transform_2(%arg0: i32) -> (i32, i32) {
    %c0_i32 = arith.constant 0 : i32
    %c0_i32_0 = arith.constant 0 : i32
    return %arg0, %c0_i32 : i32, i32
  }
  func.func @transform_3(%arg0: i32) -> (i32, i32) {
    %c0_i32 = arith.constant 0 : i32
    %c0_i32_0 = arith.constant 0 : i32
    %c0_i32_1 = arith.constant 0 : i32
    return %c0_i32, %c0_i32_0 : i32, i32
  }
  func.func @transform_4(%arg0: i32) -> (i32, i32) {
    %c0_i32 = arith.constant 0 : i32
    %c0_i32_0 = arith.constant 0 : i32
    return %arg0, %c0_i32 : i32, i32
  }
}

module attributes {stable_mosaic.version = 14 : i64} {
  func.func @_post2_body(%arg0: i32, %arg1: memref<2000x1xf32, #tpu.memory_space<vmem>>, %arg2: memref<2x2000x16xf32, #tpu.memory_space<vmem>>, %arg3: memref<2000x16xf32, #tpu.memory_space<vmem>>, %arg4: memref<16x128xf32, #tpu.memory_space<vmem>>, %arg5: memref<1x128xf32, #tpu.memory_space<vmem>>, %arg6: memref<2000x128xf32, #tpu.memory_space<vmem>>) attributes {dimension_semantics = [#tpu.dimension_semantics<arbitrary>], iteration_bounds = array<i64: 5>, scalar_prefetch = 0 : i64, scratch_operands = 0 : i64, tpu.core_type = #tpu.core_type<tc>, window_params = [{transform_indices = @transform_0, window_bounds = array<i64: 2000, 1>}, {transform_indices = @transform_1, window_bounds = array<i64: 2, 2000, 16>}, {transform_indices = @transform_2, window_bounds = array<i64: 2000, 16>}, {pipeline_mode = #tpu.pipeline_mode<synchronous>, transform_indices = @transform_3, window_bounds = array<i64: 16, 128>}, {pipeline_mode = #tpu.pipeline_mode<synchronous>, transform_indices = @transform_4, window_bounds = array<i64: 1, 128>}, {transform_indices = @transform_5, window_bounds = array<i64: 2000, 128>}]} {
    %get3A = arith.constant 0 : index
    %get3A_0 = arith.constant 0 : index
    %get3A_1 = vector.load %arg1[%get3A, %get3A_0] : memref<2000x1xf32, #tpu.memory_space<vmem>>, vector<2000x1xf32>
    %get3A_2 = arith.constant 0 : index
    %get3A_3 = arith.constant 0 : index
    %get3A_4 = arith.constant 0 : index
    %get3A_5 = vector.load %arg2[%get3A_2, %get3A_3, %get3A_4] : memref<2x2000x16xf32, #tpu.memory_space<vmem>>, vector<1x2000x16xf32>
    %get3A_6 = vector.shape_cast %get3A_5 : vector<1x2000x16xf32> to vector<2000x16xf32>
    %get3A_7 = arith.constant 1 : index
    %get3A_8 = arith.constant 0 : index
    %get3A_9 = arith.constant 0 : index
    %get3A_10 = vector.load %arg2[%get3A_7, %get3A_8, %get3A_9] : memref<2x2000x16xf32, #tpu.memory_space<vmem>>, vector<1x2000x16xf32>
    %get3A_11 = vector.shape_cast %get3A_10 : vector<1x2000x16xf32> to vector<2000x16xf32>
    %add3A = arith.addf %get3A_6, %get3A_11 : vector<2000x16xf32>
    %get3A_12 = arith.constant 0 : index
    %get3A_13 = arith.constant 0 : index
    %get3A_14 = vector.load %arg3[%get3A_12, %get3A_13] : memref<2000x16xf32, #tpu.memory_space<vmem>>, vector<2000x16xf32>
    %add3A_15 = arith.addf %add3A, %get3A_14 : vector<2000x16xf32>
    %mul3A = vector.broadcast %get3A_1 : vector<2000x1xf32> to vector<2000x16xf32>
    %mul3A_16 = arith.mulf %add3A_15, %mul3A : vector<2000x16xf32>
    %get3A_17 = arith.constant 0 : index
    %get3A_18 = arith.constant 0 : index
    %get3A_19 = vector.load %arg4[%get3A_17, %get3A_18] : memref<16x128xf32, #tpu.memory_space<vmem>>, vector<16x128xf32>
    %dot_general3A = arith.constant dense<0.000000e+00> : vector<2000x128xf32>
    %dot_general3A_20 = tpu.matmul %mul3A_16, %get3A_19, %dot_general3A {dimension_numbers = #tpu.dot_dimension_numbers<[1], [0], [0], [1], [0, 0, 1, 1], [], []>, transpose_lhs_hint = false} : vector<2000x16xf32>, vector<16x128xf32>, vector<2000x128xf32> -> vector<2000x128xf32>
    %get3A_21 = arith.constant 0 : index
    %get3A_22 = arith.constant 0 : index
    %get3A_23 = vector.load %arg5[%get3A_21, %get3A_22] : memref<1x128xf32, #tpu.memory_space<vmem>>, vector<1x128xf32>
    %add3A_24 = vector.broadcast %get3A_23 : vector<1x128xf32> to vector<2000x128xf32>
    %add3A_25 = arith.addf %dot_general3A_20, %add3A_24 : vector<2000x128xf32>
    %swap3A = arith.constant 0 : index
    %swap3A_26 = arith.constant 0 : index
    %swap3A_27 = vector.load %arg6[%swap3A, %swap3A_26] : memref<2000x128xf32, #tpu.memory_space<vmem>>, vector<2000x128xf32>
    tpu.vector_store %arg6[%swap3A, %swap3A_26], %add3A_25 {strides = array<i32>} : memref<2000x128xf32, #tpu.memory_space<vmem>>, vector<2000x128xf32>,
    return
  }
  func.func @transform_0(%arg0: i32) -> (i32, i32) {
    %c0_i32 = arith.constant 0 : i32
    %c0_i32_0 = arith.constant 0 : i32
    return %arg0, %c0_i32 : i32, i32
  }
  func.func @transform_1(%arg0: i32) -> (i32, i32, i32) {
    %c0_i32 = arith.constant 0 : i32
    %c0_i32_0 = arith.constant 0 : i32
    %c0_i32_1 = arith.constant 0 : i32
    return %c0_i32, %arg0, %c0_i32_0 : i32, i32, i32
  }
  func.func @transform_2(%arg0: i32) -> (i32, i32) {
    %c0_i32 = arith.constant 0 : i32
    %c0_i32_0 = arith.constant 0 : i32
    return %arg0, %c0_i32 : i32, i32
  }
  func.func @transform_3(%arg0: i32) -> (i32, i32) {
    %c0_i32 = arith.constant 0 : i32
    %c0_i32_0 = arith.constant 0 : i32
    %c0_i32_1 = arith.constant 0 : i32
    return %c0_i32, %c0_i32_0 : i32, i32
  }
  func.func @transform_4(%arg0: i32) -> (i32, i32) {
    %c0_i32 = arith.constant 0 : i32
    %c0_i32_0 = arith.constant 0 : i32
    %c0_i32_1 = arith.constant 0 : i32
    return %c0_i32, %c0_i32_0 : i32, i32
  }
  func.func @transform_5(%arg0: i32) -> (i32, i32) {
    %c0_i32 = arith.constant 0 : i32
    %c0_i32_0 = arith.constant 0 : i32
    return %arg0, %c0_i32 : i32, i32
  }
}

</mosaic_0001>

<sc_bundles>
// kernel: kernel.10.cloned.1.call-start
scs
__scs_entry_jumppad:
0x0: {  	(pc) =	sbr.rel $0x88, $3  }
0x1: {  	(tag) =	ssettag $0x0;
	lr =	simm.s32 $0x1  }
0x2: {  	[smem:$0x3F9B] =	sst lr;
	_ =	strace $0xD0000000  }
0x3: {  	_ = 	snop  }
0x4: {  	_ = 	snop  }
0x5: {  	_ = 	snop  }
0x6: {  	_ = 	snop  }
0x7: {  	_ = 	snop  }
__scs_overlays_trampoline_lowered:
0x8: {  	[smem:$0x3FAA] =	sst s0  }
0x9: {  	[smem:$0x3FAB] =	sst s1  }
0xa: {  	[smem:$0x3FAC] =	sst s2  }
0xb: {  	[smem:$0x3FAD] =	sst s3  }
0xc: {  	[smem:$0x3FAE] =	sst s4  }
0xd: {  	[smem:$0x3FAF] =	sst s5  }
0xe: {  	[smem:$0x3FB0] =	sst s6  }
0xf: {  	[smem:$0x3FB1] =	sst s7  }
0x10: {  	[smem:$0x3FB2] =	sst s8  }
0x11: {  	[smem:$0x3FB3] =	sst s9;
	s0 =	simm.s32 @!p0 $0x0  }
0x12: {  	s1 =	sld [smem:$0x3F99];
	s0 =	simm.s32 @p0 $0x1  }
0x13: {  	[smem:$0x3FB4] =	sst s0;
	s0 =	simm.s32 @!p1 $0x0  }
0x14: {  	s2 =	sld [smem:$0x3F98];
	s0 =	simm.s32 @p1 $0x1  }
0x15: {  	[smem:$0x3FB5] =	sst s0;
	s0 =	simm.s32 @!p2 $0x0  }
0x16: {  	s3 =	sld [smem:$0x3FDB];
	s0 =	simm.s32 @p2 $0x1  }
0x17: {  	s4 =	simm.s32 $0x1BF5;
	[smem:$0x3FB7] =	sst s0  }
0x18: {  	s0 =	sld [smem:$0x3F9A];
	_ =	swait.ge [sflag:s4], $0x0  }
0x19: {  	s7 =	sld [smem:$0x3F9B]  }
0x1a: {  	s8 =	sadd.s32 $0xFFFFE003, lr  }
0x1b: {  	s9 =	sadd.s32 $0xFFFFFEF7, lr;
	s5 =	simm.s32 $0xFFFFFFFF;
	p2 =	slt.u32 s8, $0xFFFFF086  }
0x1c: {  	p1 =	slt.u32 s9, $0xF7A;
	s5 =	simm.s32 @!p2 $0x0  }
0x1d: {  	s5 =	simm.s32 @p1 $0x1;
	p0 =	seq.s32 s7, s2  }
0x1e: {  	s7 =	smul.u32 @!p0 $0xF7A, s2;
	p2 =	seq.s32 @!p0 s5, $0x0  }
0x1f: {  	s9 =	smul.u32 $0xF7A, s1;
	s8 =	simm.s32 @!p0 $0x1BF5;
	p2 =	por !p2, p0  }
0x20: {  	[sflag:s8] =	ssyncset.s32 @!p0 $0xFFFFF086;
	s6 =	sadd.s32 @!p0 s3, s7;
	s7 =	simm.s32 @!p0 $0x108  }
0x21: {  	s3 =	sadd.s32 s3, s9;
	s6 =	sadd.s32 @!p0 $0x88, s6;
	s7 =	simm.s32 @p2 $0x1082  }
0x22: {  	[simem:s7], [sflag:s8] =	dma.local @!p0 [hbm:s6], $0xF7A  }
0x23: {  	s9 =	sor.u32 $0xD0000000, s2;
	s6 =	simm.s32 $0x108;
	_ =	swait.ge @!p0 [sflag:s8], $0x0  }
0x24: {  	s3 =	sadd.s32 $0x88, s3;
	s6 =	simm.s32 @!p1 $0x1082;
	[sflag:s4] =	ssyncset.s32 $0xFFFFF086  }
0x25: {  	[simem:s6], [sflag:s4] =	dma.local [hbm:s3], $0xF7A  }
0x26: {  	[smem:$0x3F9B] =	sst s1;
	(tag) =	ssettag s2;
	_ =	strace s9  }
0x27: {  	s1 =	sld [smem:$0x3FAB]  }
0x28: {  	s2 =	sld [smem:$0x3FAC]  }
0x29: {  	s4 =	sld [smem:$0x3FAE]  }
0x2a: {  	p0 =	seq.s32 s5, $0x0;
	s5 =	sld [smem:$0x3FAF]  }
0x2b: {  	s6 =	sld [smem:$0x3FB0]  }
0x2c: {  	s7 =	sld [smem:$0x3FB1]  }
0x2d: {  	s3 =	simm.s32 $0x108;
	s8 =	sld [smem:$0x3FB2]  }
0x2e: {  	s3 =	simm.s32 @!p0 $0x1082;
	s9 =	sld [smem:$0x3FB3]  }
0x2f: {  	lr =	sadd.s32 s0, s3;
	s0 =	sld [smem:$0x3FAA]  }
0x30: {  	s3 =	sld [smem:$0x3FAD]  }
0x31: {  	[smem:$0x3FB6] =	sst s10  }
0x32: {  	s10 =	sld [smem:$0x3FB4];
	_ =	sdelay $0x3  }
0x33: {  	p0 =	seq.s32 s10, $0x1;
	s10 =	sld [smem:$0x3FB6];
	_ =	sdelay $0x3  }
0x34: {  	[smem:$0x3FB6] =	sst s10  }
0x35: {  	s10 =	sld [smem:$0x3FB5];
	_ =	sdelay $0x3  }
0x36: {  	p1 =	seq.s32 s10, $0x1;
	s10 =	sld [smem:$0x3FB6];
	_ =	sdelay $0x3  }
0x37: {  	[smem:$0x3FB6] =	sst s10  }
0x38: {  	s10 =	sld [smem:$0x3FB7]  }
0x39: {  	_ = 	snop;
	(pc) =	sbr.ind lr, $3  }
0x3a: {  	_ = 	snop  }
0x3b: {  	_ = 	snop  }
0x3c: {  	p2 =	seq.s32 s10, $0x1;
	s10 =	sld [smem:$0x3FB6]  }
0x3d: {  	_ =	shalt  }
0x3e: {  	_ =	shalt  }
0x3f: {  	_ =	shalt  }
0x40: {  	_ =	shalt  }
0x41: {  	_ =	shalt  }
0x42: {  	_ =	shalt  }
0x43: {  	_ =	shalt  }
0x44: {  	_ =	shalt  }
0x45: {  	_ =	shalt  }
0x46: {  	_ =	shalt  }
0x47: {  	_ =	shalt  }
0x48: {  	_ =	shalt  }
0x49: {  	_ =	shalt  }
0x4a: {  	_ =	shalt  }
0x4b: {  	_ =	shalt  }
0x4c: {  	_ =	shalt  }
0x4d: {  	_ =	shalt  }
0x4e: {  	_ =	shalt  }
0x4f: {  	_ =	shalt  }
0x50: {  	_ =	shalt  }
0x51: {  	_ =	shalt  }
0x52: {  	_ =	shalt  }
0x53: {  	_ =	shalt  }
0x54: {  	_ =	shalt  }
0x55: {  	_ =	shalt  }
0x56: {  	_ =	shalt  }
0x57: {  	_ =	shalt  }
0x58: {  	_ =	shalt  }
0x59: {  	_ =	shalt  }
0x5a: {  	_ =	shalt  }
0x5b: {  	_ =	shalt  }
0x5c: {  	_ =	shalt  }
0x5d: {  	_ =	shalt  }
0x5e: {  	_ =	shalt  }
0x5f: {  	_ =	shalt  }
0x60: {  	_ =	shalt  }
0x61: {  	_ =	shalt  }
0x62: {  	_ =	shalt  }
0x63: {  	_ =	shalt  }
0x64: {  	_ =	shalt  }
0x65: {  	_ =	shalt  }
0x66: {  	_ =	shalt  }
0x67: {  	_ =	shalt  }
0x68: {  	_ =	shalt  }
0x69: {  	_ =	shalt  }
0x6a: {  	_ =	shalt  }
0x6b: {  	_ =	shalt  }
0x6c: {  	_ =	shalt  }
0x6d: {  	_ =	shalt  }
0x6e: {  	_ =	shalt  }
0x6f: {  	_ =	shalt  }
0x70: {  	_ =	shalt  }
0x71: {  	_ =	shalt  }
0x72: {  	_ =	shalt  }
0x73: {  	_ =	shalt  }
0x74: {  	_ =	shalt  }
0x75: {  	_ =	shalt  }
0x76: {  	_ =	shalt  }
0x77: {  	_ =	shalt  }
0x78: {  	_ =	shalt  }
0x79: {  	_ =	shalt  }
0x7a: {  	_ =	shalt  }
0x7b: {  	_ =	shalt  }
0x7c: {  	_ =	shalt  }
0x7d: {  	_ =	shalt  }
0x7e: {  	_ =	shalt  }
0x7f: {  	_ =	shalt  }
0x80: {  	_ =	shalt  }
0x81: {  	_ =	shalt  }
0x82: {  	_ =	shalt  }
0x83: {  	_ =	shalt  }
0x84: {  	_ =	shalt  }
0x85: {  	_ =	shalt  }
0x86: {  	_ =	shalt  }
0x87: {  	_ =	shalt  }
.Lfunc_end0:
.L_simem_size_0:
called_computation_lowered:
.L_overlay_start_0:
0x88: {  	s2 =	sld [smem:$0x3FD9]  }
0x89: {  	s3 =	sld [smem:$0x3FFE];
	_ =	sdelay $0x1  }
0x8a: {  	s1 =	srdreg.scid  }
0x8b: {  	s0 =	sand.u32 $0x1, s1  }
0x8c: {  	s17 =	sshll.u32 s0, $0xA;
	s2 =	sadd.s32 s3, s2  }
0x8d: {  	s2 =	sadd.s32 s2, s17  }
0x8e: {  	[smem:$0x3FC2] =	sst s2  }
0x8f: {  	_ = 	snop  }
0x90: {  	s2 =	sld [smem:$0x3FD0];
	(tm) =	ssettm $0x1  }
0x91: {  	s18 =	sld [smem:$0x3FFB];
	_ =	sdelay $0x3  }
0x92: {  	_ =	strace s18  }
0x93: {  	s3 =	sld [smem:$0x3FFC];
	_ =	sdelay $0x3  }
0x94: {  	_ =	strace s3  }
0x95: {  	s3 =	sld [smem:$0x3FFD];
	_ =	sdelay $0x3  }
0x96: {  	_ =	strace s3  }
0x97: {  	_ =	strace $0x8FFFFFFF  }
0x98: {  	s19 =	sld [smem:$0x3FDB];
	_ =	sdelay $0x1  }
0x99: {  	s4 =	simm.s32 $_scs_section_size  }
0x9a: {  	s5 =	simm.s32 $_size__tile_overlayer_lowered;
	s6 =	simm.s32 $_tile_overlayer_lowered  }
0x9b: {  	s22 =	simm.s32 $0x1BFF;
	s21 =	sshll.u32 s6, $0x1;
	s3 =	sadd.s32 s4, s19  }
0x9c: {  	s7 =	simm.s32 $0x0;
	s20 =	sshll.u32 s5, $0x1;
	s5 =	sadd.s32 s21, s3  }
0x9d: {  	[timem:s7], [sflag:s22] =	dma.local [hbm:s5], s20  }
0x9e: {  	_ =	swait.ge [sflag:s22], s20  }
0x9f: {  	s4 =	ssub.s32 $0x0, s20;
	[sflag:s22] =	ssyncset.done $0x0  }
0xa0: {  	[sflag:s22] =	ssyncadd.s32 s4;
	_ =	sdelay $0x1  }
0xa1: {  	s23 =	simm.s32 $0x1B8B  }
0xa2: {  	_ =	swait.ge [sflag:s23], $0x1  }
0xa3: {  	[sflag:s23] =	ssyncset.done $0x0  }
0xa4: {  	s25 =	simm.s32 $0x1B8E;
	s24 =	sld [smem:$0x3FFE];
	[sflag:s23] =	ssyncadd.s32 $0xFFFFFFFF  }
0xa5: {  	s26 =	simm.s32 $execute0_lowered;
	[smem:$0x3FD2] =	sst s25  }
0xa6: {  	s5 =	sshll.u32 s26, $0x1;
	_ =	strace $0x80000046;
	[dreg:$0x1] =	wrdreg $0xFFFFFFFF  }
0xa7: {  	s28 =	simm.s32 $_size_execute0_lowered;
	s3 =	sadd.s32 s3, s5;
	[dreg:$0x0] =	wrdreg $0x0  }
0xa8: {  	s5 =	sshll.u32 s28, $0x1;
	[dreg:$0x2] =	wrdreg s3  }
0xa9: {  	[dreg:$0x3] =	wrdreg s5  }
0xaa: {  	[dreg:$0x4] =	wrdreg $0xC0  }
0xab: {  	_ =	task [dreg:s7], $0x5FFFF  }
0xac: {  	[dreg:$0x1] =	wrdreg $0xFFFFFFFF  }
0xad: {  	[dreg:$0x0] =	wrdreg $0x60  }
0xae: {  	[dreg:$0x2] =	wrdreg s2  }
0xaf: {  	[dreg:$0x3] =	wrdreg s24  }
0xb0: {  	[dreg:$0x4] =	wrdreg $0x2B000  }
0xb1: {  	[dreg:$0x5] =	wrdreg $0x9  }
0xb2: {  	_ =	task.clear_ibuf [dreg:s7], $0x6FFFF;
	_ =	strace $0x90000046  }
0xb3: {  	s29 =	simm.s32 $0x9;
	_ =	strace $0x80000048  }
0xb4: {  	_ =	swait.ge [sflag:s29], $0x1  }
0xb5: {  	[sflag:s29] =	ssyncadd.s32 $0xFFFFFFFF  }
0xb6: {  	_ =	strace $0x90000048  }
0xb7: {  	_ =	sfence  }
0xb8: {  	s30 =	sld [smem:$0x0];
	_ =	sdelay $0x2  }
0xb9: {  	s31 =	sshll.u32 s1, $0xD;
	s1 =	sshrl.u32 s1, $0x2  }
0xba: {  	s3 =	sand.u32 $0x4000, s31;
	s1 =	sadd.s32 s1, s30  }
0xbb: {  	s0 =	sor.u32 s3, s0;
	s1 =	sshll.u32 s1, $0x11  }
0xbc: {  	s0 =	sor.u32 s1, s0  }
0xbd: {  	s0 =	sadd.s32 $0x8F2B, s0  }
0xbe: {  	[sflag:s0] =	ssyncadd.remote.s32 $0x1  }
0xbf: {  	_ =	sfence.sel $0xFFFF  }
0xc0: {  	[dreg:$0x0] =	wrdreg $0xFFFFFFFF;
	(pc) =	sbr.abs _section_cstart, $3  }
0xc1: {  	[dreg:$0x1] =	wrdreg $0xFFFFFFFF  }
0xc2: {  	_ =	task.clear_ibuf [dreg:s7], $0x2FFFF;
	_ =	strace $0x9FFFFFFF  }
0xc3: {  	(tm) =	ssettm $0x7FFFFFFF  }
tec
execute0_lowered:
.L_overlay_start_1:
0x0: {  	(tag) =	ssettag $0x1  }
0x1: {  	s5 =	rddreg [dreg:$0x0]  }
0x2: {  	s4 =	rddreg [dreg:$0x1];
	s1 =	srdreg.scid  }
0x3: {  	s0 =	stileid.u32;
	s2 =	rddreg [dreg:$0x2];
	s3 =	simm.s32 $0x0  }
0x4: {  	s11 =	simm.s32 $0x2800;
	s6 =	sand.u32 $0x1, s1;
	s7 =	smul.u32 $0x280, s0  }
0x5: {  	s12 =	simm.s32 $0x0;
	s1 =	rddreg [dreg:$0x3];
	s8 =	smul.u32 $0x2800, s6  }
0x6: {  	[smem:$0x7FF] =	sst s3;
	s9 =	sshll.u32 s6, $0x4;
	s6 =	ssub.s32 $0x2, s6  }
0x7: {  	_ =	strace $0x80000047;
	s9 =	sor.u32 s0, s9;
	s8 =	sadd.s32 s7, s8  }
0x8: {  	s10 =	sshrl.u32 s6, $0x1;
	s9 =	smul.u32 $0x500, s9;
	s8 =	sshrl.u32 s8, $0x3  }
0x9: {  	s10 =	ssub.s32 s6, s10;
	s8 =	sadd.s32 s8, s4;
	s4 =	sadd.s32 s7, s2  }
0xa: {  	s5 =	sadd.s32 s5, s9;
	s7 =	smax.u32 s10, $0x1;
	s9 =	simm.s32 $0x1  }
0xb: {  	v0 =	vimm.f32 $0.0e+00;
	v1 =	vimm.f32 $1.000000000e+00;
	s10 =	simm.s32 $0x80;
	s6 =	sadd.s32 $0xB600, s8;
	s8 =	simm.s32 $0x2880  }
.LBB2_1:
0xc: {  	[tilespmem:$0x2880] =	vst v0  }
0xd: {  	[tilespmem:$0x2890] =	vst v0  }
0xe: {  	[tilespmem:$0x28A0] =	vst v0  }
0xf: {  	[tilespmem:$0x28B0] =	vst v0  }
0x10: {  	[tilespmem:$0x28C0] =	vst v0  }
0x11: {  	[tilespmem:$0x28D0] =	vst v0  }
0x12: {  	[tilespmem:$0x28E0] =	vst v0  }
0x13: {  	[tilespmem:$0x28F0] =	vst v0  }
0x14: {  	[tilespmem:$0x2900] =	vst v0  }
0x15: {  	[tilespmem:$0x2910] =	vst v0  }
0x16: {  	[tilespmem:$0x2920] =	vst v0  }
0x17: {  	[tilespmem:$0x2930] =	vst v0  }
0x18: {  	[tilespmem:$0x2940] =	vst v0  }
0x19: {  	[tilespmem:$0x2950] =	vst v0  }
0x1a: {  	[tilespmem:$0x2960] =	vst v0  }
0x1b: {  	[tilespmem:$0x2970] =	vst v0  }
0x1c: {  	[tilespmem:$0x2980] =	vst v0  }
0x1d: {  	[tilespmem:$0x2990] =	vst v0  }
0x1e: {  	[tilespmem:$0x29A0] =	vst v0  }
0x1f: {  	[tilespmem:$0x29B0] =	vst v0  }
0x20: {  	[tilespmem:$0x29C0] =	vst v0  }
0x21: {  	[tilespmem:$0x29D0] =	vst v0  }
0x22: {  	[tilespmem:$0x29E0] =	vst v0  }
0x23: {  	[tilespmem:$0x29F0] =	vst v0  }
0x24: {  	[tilespmem:$0x2A00] =	vst v0  }
0x25: {  	[tilespmem:$0x2A10] =	vst v0  }
0x26: {  	[tilespmem:$0x2A20] =	vst v0  }
0x27: {  	[tilespmem:$0x2A30] =	vst v0  }
0x28: {  	[tilespmem:$0x2A40] =	vst v0  }
0x29: {  	[tilespmem:$0x2A50] =	vst v0  }
0x2a: {  	[tilespmem:$0x2A60] =	vst v0  }
0x2b: {  	[tilespmem:$0x2A70] =	vst v0  }
0x2c: {  	[tilespmem:$0x2A80] =	vst v0  }
0x2d: {  	[tilespmem:$0x2A90] =	vst v0  }
0x2e: {  	[tilespmem:$0x2AA0] =	vst v0  }
0x2f: {  	[tilespmem:$0x2AB0] =	vst v0  }
0x30: {  	[tilespmem:$0x2AC0] =	vst v0  }
0x31: {  	[tilespmem:$0x2AD0] =	vst v0  }
0x32: {  	[tilespmem:$0x2AE0] =	vst v0  }
0x33: {  	[tilespmem:$0x2AF0] =	vst v0  }
0x34: {  	[spmem:s4] =	stream.linear.scatter [tilespmem:s8], [sflag:$0x1], $0x280, $0x38;
	[tilespmem:$0x2D80] =	vst v63  }
0x35: {  	_ =	swait.ge [sflag:s9], $0x280  }
0x36: {  	[sflag:s9] =	ssyncset.done $0x0  }
0x37: {  	[sflag:s9] =	ssyncadd.s32 $0xFFFFFD80  }
0x38: {  	[tilespmem:$0x2800] =	vst v1  }
0x39: {  	[tilespmem:$0x2810] =	vst v1  }
0x3a: {  	[tilespmem:$0x2820] =	vst v1  }
0x3b: {  	[tilespmem:$0x2830] =	vst v1  }
0x3c: {  	[tilespmem:$0x2840] =	vst v1  }
0x3d: {  	[tilespmem:$0x2850] =	vst v1  }
0x3e: {  	[tilespmem:$0x2860] =	vst v1  }
0x3f: {  	[tilespmem:$0x2870] =	vst v1  }
0x40: {  	[tilespmem:s3], [sflag:$0x1] =	stream.linear.gather [hbm4b:s5+s3], $0x2800, $0x38;
	[tilespmem:$0x2D80] =	vst v63  }
0x41: {  	_ =	swait.ge [sflag:s9], $0x2800  }
0x42: {  	[sflag:s9] =	ssyncset.done $0x0  }
0x43: {  	[sflag:s9] =	ssyncadd.s32 $0xFFFFD800  }
0x44: {  	s13 =	simm.s32 $0x0;
	[bflag:$0x0] =	sbarrier.arrive $0xFFFF  }
0x45: {  	[spmem:s2] =	stream.indirect.scatter.add.f32 [tilespmem:s11], [sflag:$0x1], $0x1, s13, s10, $0xb8;
	[tilespmem:$0x2D80] =	vst v63  }
0x46: {  	_ =	swait.ge [sflag:s9], $0x80  }
0x47: {  	s13 =	simm.s32 $0x200;
	[sflag:s9] =	ssyncset.done $0x0  }
.LBB2_2:
0x48: {  	s14 =	sshra.s32 s13, $0x2;
	[sflag:s9] =	ssyncadd.s32 $0xFFFFFF80;
	p0 =	sne.s32 s13, $0x9E00  }
0x49: {  	[spmem:s2] =	stream.indirect.scatter.add.f32 [tilespmem:s11], [sflag:$0x1], $0x1, s14, s10, $0xb8;
	[tilespmem:$0x2D80] =	vst v63  }
.Ltmp0:
0x4a: {  	_ = 	snop;
	(pc) =	sbr.rel @p0 .LBB2_2-.Ltmp0, $4  }
0x4b: {  	_ = 	snop  }
0x4c: {  	s13 =	sadd.s32 $0x200, s13  }
0x4d: {  	_ =	swait.ge [sflag:s9], $0x80  }
0x4e: {  	[sflag:s9] =	ssyncset.done $0x0  }
0x4f: {  	[sflag:s9] =	ssyncadd.s32 $0xFFFFFF80  }
0x50: {  	[bflag:$0x0] =	sbarrier.arrive $0xFFFF  }
0x51: {  	[tilespmem:s8], [sflag:$0x1] =	stream.linear.gather [spmem:s4], $0x280, $0x38;
	[tilespmem:$0x2D80] =	vst v63  }
0x52: {  	s12 =	sadd.s32 $0x1, s12;
	_ =	swait.ge [sflag:s9], $0x280  }
0x53: {  	p0 =	sne.s32 s12, s7;
	[sflag:s9] =	ssyncset.done $0x0  }
.Ltmp1:
0x54: {  	[sflag:s9] =	ssyncadd.s32 $0xFFFFFD80;
	(pc) =	sbr.rel @p0 .LBB2_1-.Ltmp1, $4  }
0x55: {  	[hbm4b:s6+s3] =	stream.linear.scatter [tilespmem:s8], [sflag:$0x1], $0x280, $0x38;
	[tilespmem:$0x2D80] =	vst v63  }
0x56: {  	_ =	swait.ge [sflag:s9], $0x280  }
0x57: {  	[sflag:s9] =	ssyncset.done $0x0  }
0x58: {  	[sflag:s9] =	ssyncadd.s32 $0xFFFFFD80  }
0x59: {  	_ =	sfence.sel $0x180000  }
0x5a: {  	[bflag:$0x0] =	sbarrier.arrive $0xFFFF  }
0x5b: {  	p0 =	sne.s32 s0, $0x0;
	_ =	strace $0x90000047  }
0x5c: {  	s0 =	sadd.s32 @!p0 $0x100000, s1;
	[bflag:$0x2] =	sbarrier.arrive $0xFFFF  }
0x5d: {  	[sflag:s0] =	ssyncadd.tile.s32 @!p0 $0x1;
	_ =	shalt  }
.Lfunc_end2:
_tile_overlayer_lowered:
.L_overlay_start_2:
0x5e: {  	(tag) =	ssettag $0x2  }
0x5f: {  	s0 =	rddreg [dreg:$0x0];
	s2 =	stileid.u32  }
0x60: {  	s1 =	rddreg [dreg:$0x1];
	p0 =	sne.s32 s2, $0x0  }
0x61: {  	s3 =	rddreg [dreg:$0x2];
	[bflag:$0x3] =	sbarrier.arrive $0xFFFF;
	s2 =	simm.s32 @!p0 $0x1C01  }
0x62: {  	[timem:s3], [sflag:s2] =	dma.local @!p0 [hbm:s0], s1  }
0x63: {  	s0 =	simm.s32 @!p0 $0x1  }
0x64: {  	_ =	swait.ge @!p0 [sflag:s0], s1  }
0x65: {  	s1 =	ssub.s32 @!p0 $0x0, s1;
	[sflag:s0] =	ssyncset.done @!p0 $0x0  }
0x66: {  	[sflag:s0] =	ssyncadd.s32 @!p0 s1  }
0x67: {  	[bflag:$0x3] =	sbarrier.arrive $0xFFFF  }
0x68: {  	_ =	shalt  }

// kernel: kernel.13.cloned.1.call-start
scs
__scs_entry_jumppad:
0x0: {  	(pc) =	sbr.rel $0x88, $3  }
0x1: {  	(tag) =	ssettag $0x0;
	lr =	simm.s32 $0x1  }
0x2: {  	[smem:$0x3F9B] =	sst lr;
	_ =	strace $0xD0000000  }
0x3: {  	_ = 	snop  }
0x4: {  	_ = 	snop  }
0x5: {  	_ = 	snop  }
0x6: {  	_ = 	snop  }
0x7: {  	_ = 	snop  }
__scs_overlays_trampoline_lowered:
0x8: {  	[smem:$0x3FAA] =	sst s0  }
0x9: {  	[smem:$0x3FAB] =	sst s1  }
0xa: {  	[smem:$0x3FAC] =	sst s2  }
0xb: {  	[smem:$0x3FAD] =	sst s3  }
0xc: {  	[smem:$0x3FAE] =	sst s4  }
0xd: {  	[smem:$0x3FAF] =	sst s5  }
0xe: {  	[smem:$0x3FB0] =	sst s6  }
0xf: {  	[smem:$0x3FB1] =	sst s7  }
0x10: {  	[smem:$0x3FB2] =	sst s8  }
0x11: {  	[smem:$0x3FB3] =	sst s9;
	s0 =	simm.s32 @!p0 $0x0  }
0x12: {  	s1 =	sld [smem:$0x3F99];
	s0 =	simm.s32 @p0 $0x1  }
0x13: {  	[smem:$0x3FB4] =	sst s0;
	s0 =	simm.s32 @!p1 $0x0  }
0x14: {  	s2 =	sld [smem:$0x3F98];
	s0 =	simm.s32 @p1 $0x1  }
0x15: {  	[smem:$0x3FB5] =	sst s0;
	s0 =	simm.s32 @!p2 $0x0  }
0x16: {  	s3 =	sld [smem:$0x3FDB];
	s0 =	simm.s32 @p2 $0x1  }
0x17: {  	s4 =	simm.s32 $0x1BF5;
	[smem:$0x3FB7] =	sst s0  }
0x18: {  	s0 =	sld [smem:$0x3F9A];
	_ =	swait.ge [sflag:s4], $0x0  }
0x19: {  	s7 =	sld [smem:$0x3F9B]  }
0x1a: {  	s8 =	sadd.s32 $0xFFFFE003, lr  }
0x1b: {  	s9 =	sadd.s32 $0xFFFFFEF7, lr;
	s5 =	simm.s32 $0xFFFFFFFF;
	p2 =	slt.u32 s8, $0xFFFFF086  }
0x1c: {  	p1 =	slt.u32 s9, $0xF7A;
	s5 =	simm.s32 @!p2 $0x0  }
0x1d: {  	s5 =	simm.s32 @p1 $0x1;
	p0 =	seq.s32 s7, s2  }
0x1e: {  	s7 =	smul.u32 @!p0 $0xF7A, s2;
	p2 =	seq.s32 @!p0 s5, $0x0  }
0x1f: {  	s9 =	smul.u32 $0xF7A, s1;
	s8 =	simm.s32 @!p0 $0x1BF5;
	p2 =	por !p2, p0  }
0x20: {  	[sflag:s8] =	ssyncset.s32 @!p0 $0xFFFFF086;
	s6 =	sadd.s32 @!p0 s3, s7;
	s7 =	simm.s32 @!p0 $0x108  }
0x21: {  	s3 =	sadd.s32 s3, s9;
	s6 =	sadd.s32 @!p0 $0x88, s6;
	s7 =	simm.s32 @p2 $0x1082  }
0x22: {  	[simem:s7], [sflag:s8] =	dma.local @!p0 [hbm:s6], $0xF7A  }
0x23: {  	s9 =	sor.u32 $0xD0000000, s2;
	s6 =	simm.s32 $0x108;
	_ =	swait.ge @!p0 [sflag:s8], $0x0  }
0x24: {  	s3 =	sadd.s32 $0x88, s3;
	s6 =	simm.s32 @!p1 $0x1082;
	[sflag:s4] =	ssyncset.s32 $0xFFFFF086  }
0x25: {  	[simem:s6], [sflag:s4] =	dma.local [hbm:s3], $0xF7A  }
0x26: {  	[smem:$0x3F9B] =	sst s1;
	(tag) =	ssettag s2;
	_ =	strace s9  }
0x27: {  	s1 =	sld [smem:$0x3FAB]  }
0x28: {  	s2 =	sld [smem:$0x3FAC]  }
0x29: {  	s4 =	sld [smem:$0x3FAE]  }
0x2a: {  	p0 =	seq.s32 s5, $0x0;
	s5 =	sld [smem:$0x3FAF]  }
0x2b: {  	s6 =	sld [smem:$0x3FB0]  }
0x2c: {  	s7 =	sld [smem:$0x3FB1]  }
0x2d: {  	s3 =	simm.s32 $0x108;
	s8 =	sld [smem:$0x3FB2]  }
0x2e: {  	s3 =	simm.s32 @!p0 $0x1082;
	s9 =	sld [smem:$0x3FB3]  }
0x2f: {  	lr =	sadd.s32 s0, s3;
	s0 =	sld [smem:$0x3FAA]  }
0x30: {  	s3 =	sld [smem:$0x3FAD]  }
0x31: {  	[smem:$0x3FB6] =	sst s10  }
0x32: {  	s10 =	sld [smem:$0x3FB4];
	_ =	sdelay $0x3  }
0x33: {  	p0 =	seq.s32 s10, $0x1;
	s10 =	sld [smem:$0x3FB6];
	_ =	sdelay $0x3  }
0x34: {  	[smem:$0x3FB6] =	sst s10  }
0x35: {  	s10 =	sld [smem:$0x3FB5];
	_ =	sdelay $0x3  }
0x36: {  	p1 =	seq.s32 s10, $0x1;
	s10 =	sld [smem:$0x3FB6];
	_ =	sdelay $0x3  }
0x37: {  	[smem:$0x3FB6] =	sst s10  }
0x38: {  	s10 =	sld [smem:$0x3FB7]  }
0x39: {  	_ = 	snop;
	(pc) =	sbr.ind lr, $3  }
0x3a: {  	_ = 	snop  }
0x3b: {  	_ = 	snop  }
0x3c: {  	p2 =	seq.s32 s10, $0x1;
	s10 =	sld [smem:$0x3FB6]  }
0x3d: {  	_ =	shalt  }
0x3e: {  	_ =	shalt  }
0x3f: {  	_ =	shalt  }
0x40: {  	_ =	shalt  }
0x41: {  	_ =	shalt  }
0x42: {  	_ =	shalt  }
0x43: {  	_ =	shalt  }
0x44: {  	_ =	shalt  }
0x45: {  	_ =	shalt  }
0x46: {  	_ =	shalt  }
0x47: {  	_ =	shalt  }
0x48: {  	_ =	shalt  }
0x49: {  	_ =	shalt  }
0x4a: {  	_ =	shalt  }
0x4b: {  	_ =	shalt  }
0x4c: {  	_ =	shalt  }
0x4d: {  	_ =	shalt  }
0x4e: {  	_ =	shalt  }
0x4f: {  	_ =	shalt  }
0x50: {  	_ =	shalt  }
0x51: {  	_ =	shalt  }
0x52: {  	_ =	shalt  }
0x53: {  	_ =	shalt  }
0x54: {  	_ =	shalt  }
0x55: {  	_ =	shalt  }
0x56: {  	_ =	shalt  }
0x57: {  	_ =	shalt  }
0x58: {  	_ =	shalt  }
0x59: {  	_ =	shalt  }
0x5a: {  	_ =	shalt  }
0x5b: {  	_ =	shalt  }
0x5c: {  	_ =	shalt  }
0x5d: {  	_ =	shalt  }
0x5e: {  	_ =	shalt  }
0x5f: {  	_ =	shalt  }
0x60: {  	_ =	shalt  }
0x61: {  	_ =	shalt  }
0x62: {  	_ =	shalt  }
0x63: {  	_ =	shalt  }
0x64: {  	_ =	shalt  }
0x65: {  	_ =	shalt  }
0x66: {  	_ =	shalt  }
0x67: {  	_ =	shalt  }
0x68: {  	_ =	shalt  }
0x69: {  	_ =	shalt  }
0x6a: {  	_ =	shalt  }
0x6b: {  	_ =	shalt  }
0x6c: {  	_ =	shalt  }
0x6d: {  	_ =	shalt  }
0x6e: {  	_ =	shalt  }
0x6f: {  	_ =	shalt  }
0x70: {  	_ =	shalt  }
0x71: {  	_ =	shalt  }
0x72: {  	_ =	shalt  }
0x73: {  	_ =	shalt  }
0x74: {  	_ =	shalt  }
0x75: {  	_ =	shalt  }
0x76: {  	_ =	shalt  }
0x77: {  	_ =	shalt  }
0x78: {  	_ =	shalt  }
0x79: {  	_ =	shalt  }
0x7a: {  	_ =	shalt  }
0x7b: {  	_ =	shalt  }
0x7c: {  	_ =	shalt  }
0x7d: {  	_ =	shalt  }
0x7e: {  	_ =	shalt  }
0x7f: {  	_ =	shalt  }
0x80: {  	_ =	shalt  }
0x81: {  	_ =	shalt  }
0x82: {  	_ =	shalt  }
0x83: {  	_ =	shalt  }
0x84: {  	_ =	shalt  }
0x85: {  	_ =	shalt  }
0x86: {  	_ =	shalt  }
0x87: {  	_ =	shalt  }
.Lfunc_end0:
.L_simem_size_0:
called_computation.1_lowered:
.L_overlay_start_0:
0x88: {  	s2 =	sld [smem:$0x3FD9]  }
0x89: {  	s3 =	sld [smem:$0x3FFE];
	_ =	sdelay $0x1  }
0x8a: {  	s1 =	srdreg.scid  }
0x8b: {  	s0 =	sand.u32 $0x1, s1  }
0x8c: {  	s17 =	sshll.u32 s0, $0xA;
	s2 =	sadd.s32 s3, s2  }
0x8d: {  	s2 =	sadd.s32 s2, s17  }
0x8e: {  	[smem:$0x3FC2] =	sst s2  }
0x8f: {  	_ = 	snop  }
0x90: {  	s2 =	sld [smem:$0x3FD0];
	(tm) =	ssettm $0x1  }
0x91: {  	s18 =	sld [smem:$0x3FFB];
	_ =	sdelay $0x3  }
0x92: {  	_ =	strace s18  }
0x93: {  	s3 =	sld [smem:$0x3FFC];
	_ =	sdelay $0x3  }
0x94: {  	_ =	strace s3  }
0x95: {  	s3 =	sld [smem:$0x3FFD];
	_ =	sdelay $0x3  }
0x96: {  	_ =	strace s3  }
0x97: {  	_ =	strace $0x8FFFFFFF  }
0x98: {  	s19 =	sld [smem:$0x3FDB];
	_ =	sdelay $0x1  }
0x99: {  	s4 =	simm.s32 $_scs_section_size  }
0x9a: {  	s5 =	simm.s32 $_size__tile_overlayer_lowered;
	s6 =	simm.s32 $_tile_overlayer_lowered  }
0x9b: {  	s22 =	simm.s32 $0x1BFF;
	s21 =	sshll.u32 s6, $0x1;
	s3 =	sadd.s32 s4, s19  }
0x9c: {  	s7 =	simm.s32 $0x0;
	s20 =	sshll.u32 s5, $0x1;
	s5 =	sadd.s32 s21, s3  }
0x9d: {  	[timem:s7], [sflag:s22] =	dma.local [hbm:s5], s20  }
0x9e: {  	_ =	swait.ge [sflag:s22], s20  }
0x9f: {  	s4 =	ssub.s32 $0x0, s20;
	[sflag:s22] =	ssyncset.done $0x0  }
0xa0: {  	[sflag:s22] =	ssyncadd.s32 s4;
	_ =	sdelay $0x1  }
0xa1: {  	s23 =	simm.s32 $0x1B8B  }
0xa2: {  	_ =	swait.ge [sflag:s23], $0x1  }
0xa3: {  	[sflag:s23] =	ssyncset.done $0x0  }
0xa4: {  	s25 =	simm.s32 $0x1B8E;
	s24 =	sld [smem:$0x3FFE];
	[sflag:s23] =	ssyncadd.s32 $0xFFFFFFFF  }
0xa5: {  	s26 =	simm.s32 $execute0_lowered;
	[smem:$0x3FD2] =	sst s25  }
0xa6: {  	s5 =	sshll.u32 s26, $0x1;
	_ =	strace $0x80000049;
	[dreg:$0x1] =	wrdreg $0xFFFFFFFF  }
0xa7: {  	s28 =	simm.s32 $_size_execute0_lowered;
	s3 =	sadd.s32 s3, s5;
	[dreg:$0x0] =	wrdreg $0x0  }
0xa8: {  	s5 =	sshll.u32 s28, $0x1;
	[dreg:$0x2] =	wrdreg s3  }
0xa9: {  	[dreg:$0x3] =	wrdreg s5  }
0xaa: {  	[dreg:$0x4] =	wrdreg $0xC0  }
0xab: {  	_ =	task [dreg:s7], $0x5FFFF  }
0xac: {  	[dreg:$0x1] =	wrdreg $0xFFFFFFFF  }
0xad: {  	[dreg:$0x0] =	wrdreg $0x60  }
0xae: {  	[dreg:$0x2] =	wrdreg s24  }
0xaf: {  	[dreg:$0x3] =	wrdreg s2  }
0xb0: {  	[dreg:$0x4] =	wrdreg $0x98000  }
0xb1: {  	[dreg:$0x5] =	wrdreg $0x9  }
0xb2: {  	_ =	task.clear_ibuf [dreg:s7], $0x6FFFF;
	_ =	strace $0x90000049  }
0xb3: {  	s29 =	simm.s32 $0x9;
	_ =	strace $0x8000004B  }
0xb4: {  	_ =	swait.ge [sflag:s29], $0x1  }
0xb5: {  	[sflag:s29] =	ssyncadd.s32 $0xFFFFFFFF  }
0xb6: {  	_ =	strace $0x9000004B  }
0xb7: {  	_ =	sfence  }
0xb8: {  	s30 =	sld [smem:$0x0];
	_ =	sdelay $0x2  }
0xb9: {  	s31 =	sshll.u32 s1, $0xD;
	s1 =	sshrl.u32 s1, $0x2  }
0xba: {  	s3 =	sand.u32 $0x4000, s31;
	s1 =	sadd.s32 s1, s30  }
0xbb: {  	s0 =	sor.u32 s3, s0;
	s1 =	sshll.u32 s1, $0x11  }
0xbc: {  	s0 =	sor.u32 s1, s0  }
0xbd: {  	s0 =	sadd.s32 $0x8F2B, s0  }
0xbe: {  	[sflag:s0] =	ssyncadd.remote.s32 $0x1  }
0xbf: {  	_ =	sfence.sel $0xFFFF  }
0xc0: {  	[dreg:$0x0] =	wrdreg $0xFFFFFFFF;
	(pc) =	sbr.abs _section_cstart, $3  }
0xc1: {  	[dreg:$0x1] =	wrdreg $0xFFFFFFFF  }
0xc2: {  	_ =	task.clear_ibuf [dreg:s7], $0x2FFFF;
	_ =	strace $0x9FFFFFFF  }
0xc3: {  	(tm) =	ssettm $0x7FFFFFFF  }
tec
execute0_lowered:
.L_overlay_start_1:
0x0: {  	(tag) =	ssettag $0x1  }
0x1: {  	s5 =	rddreg [dreg:$0x0]  }
0x2: {  	s7 =	rddreg [dreg:$0x1]  }
0x3: {  	s0 =	srdreg.scid;
	s2 =	rddreg [dreg:$0x2];
	s3 =	simm.s32 $0x0  }
0x4: {  	s13 =	simm.s32 $0x80;
	s14 =	simm.s32 $0x5000;
	s15 =	simm.s32 $0x5800  }
0x5: {  	s16 =	simm.s32 $0x100;
	s17 =	simm.s32 $0x6000;
	s18 =	simm.s32 $0x180  }
0x6: {  	s19 =	simm.s32 $0x6800;
	s20 =	simm.s32 $0x1;
	s21 =	simm.s32 $0x2  }
0x7: {  	s22 =	simm.s32 $0x3;
	s23 =	simm.s32 $0x4;
	s24 =	simm.s32 $0x4E00  }
0x8: {  	s25 =	simm.s32 $0x4E80;
	s26 =	simm.s32 $0x4F00;
	s28 =	simm.s32 $0x4F80  }
0x9: {  	s29 =	simm.s32 $0x0;
	s6 =	sand.u32 $0x1, s0;
	s0 =	stileid.u32  }
0xa: {  	[smem:$0x7FF] =	sst s3;
	s1 =	sshll.u32 s6, $0x4;
	s9 =	smul.u32 $0x500, s0  }
0xb: {  	_ =	strace $0x8000004A;
	s10 =	smul.u32 $0x5000, s6;
	s6 =	ssub.s32 $0x2, s6  }
0xc: {  	s11 =	smul.u32 $0xA000, s0;
	s4 =	sor.u32 s0, s1;
	s30 =	sshrl.u32 s6, $0x1  }
0xd: {  	s8 =	smul.u32 $0x500, s4;
	s4 =	sadd.s32 $0xB600, s5;
	s9 =	sadd.s32 s9, s10  }
0xe: {  	s10 =	ssub.s32 s6, s30;
	s31 =	sshrl.u32 s11, $0x2;
	s11 =	simm.s32 $0x5  }
0xf: {  	s9 =	sadd.s32 s9, s5;
	s12 =	sadd.s32 s8, s5;
	s5 =	sadd.s32 s31, s2  }
0x10: {  	s7 =	sadd.s32 s7, s8;
	s8 =	sadd.s32 $0x10600, s9;
	s9 =	smax.u32 s10, $0x1  }
0x11: {  	v0 =	vimm.f32 $0.0e+00;
	s10 =	simm.s32 $0x7000;
	s6 =	sadd.s32 $0x1600, s12;
	s12 =	simm.s32 $0x2800  }
.LBB2_1:
0x12: {  	s30 =	simm.s32 $0x40;
	s31 =	simm.s32 $0x0  }
.LBB2_2:
0x13: {  	p0 =	sne.s32 s30, $0x9FC0;
	[tilespmem:s31+$0x7000] =	vst v0;
	s31 =	smov.u32 s30;
	s30 =	sadd.s32 $0x40, s30  }
.Ltmp0:
0x14: {  	(pc) =	sbr.rel @p0 .LBB2_2-.Ltmp0, $2  }
0x15: {  	_ =	sdelay $0x2  }
0x16: {  	s31 =	sshra.s32 s31, $0x2  }
0x17: {  	[tilespmem:s31+$0x7000] =	vst v0  }
0x18: {  	[spmem:s5] =	stream.linear.scatter [tilespmem:s10], [sflag:$0x5], $0x2800, $0x38;
	[tilespmem:$0xC000] =	vst v63  }
0x19: {  	_ =	swait.ge [sflag:s11], $0x2800  }
0x1a: {  	[sflag:s11] =	ssyncset.done $0x0  }
0x1b: {  	s30 =	simm.s32 $0x0;
	[sflag:s11] =	ssyncadd.s32 $0xFFFFD800  }
0x1c: {  	[tilespmem:s30], [sflag:$0x5] =	stream.linear.gather [hbm4b:s6+s30], $0x2800, $0x38;
	[tilespmem:$0xC000] =	vst v63  }
0x1d: {  	_ =	swait.ge [sflag:s11], $0x2800  }
0x1e: {  	[sflag:s11] =	ssyncset.done $0x0  }
0x1f: {  	[sflag:s11] =	ssyncadd.s32 $0xFFFFD800  }
0x20: {  	[tilespmem:s12], [sflag:$0x5] =	stream.linear.gather [hbm4b:s7+s30], $0x2800, $0x38;
	[tilespmem:$0xC000] =	vst v63  }
0x21: {  	_ =	swait.ge [sflag:s11], $0x2800  }
0x22: {  	[sflag:s11] =	ssyncset.done $0x0  }
0x23: {  	[sflag:s11] =	ssyncadd.s32 $0xFFFFD800  }
0x24: {  	[bflag:$0x0] =	sbarrier.arrive $0xFFFF  }
0x25: {  	[tilespmem:s14], [sflag:$0x1] =	stream.indirect.gather [hbm4b:s4+s13], $0x10, s30, s13, $0xb8;
	[tilespmem:$0xC000] =	vst v63  }
0x26: {  	_ = 	snop  }
0x27: {  	[tilespmem:s15], [sflag:$0x2] =	stream.indirect.gather [hbm4b:s4+s13], $0x10, s13, s13, $0xb8;
	[tilespmem:$0xC000] =	vst v63  }
0x28: {  	_ = 	snop  }
0x29: {  	[tilespmem:s17], [sflag:$0x3] =	stream.indirect.gather [hbm4b:s4+s13], $0x10, s16, s13, $0xb8;
	[tilespmem:$0xC000] =	vst v63  }
0x2a: {  	_ = 	snop  }
0x2b: {  	[tilespmem:s19], [sflag:$0x4] =	stream.indirect.gather [hbm4b:s4+s13], $0x10, s18, s13, $0xb8;
	[tilespmem:$0xC000] =	vst v63  }
0x2c: {  	_ =	swait.ge [sflag:s20], $0x800  }
0x2d: {  	[sflag:s20] =	ssyncset.done $0x0  }
0x2e: {  	s30 =	simm.s32 $0x2800;
	[sflag:s20] =	ssyncadd.s32 $0xFFFFF800  }
0x2f: {  	[spmem:s2] =	stream.indirect.scatter.add.f32 [tilespmem:s14], [sflag:$0x5], $0x10, s30, s13, $0xb8;
	[tilespmem:$0xC000] =	vst v63  }
0x30: {  	_ =	swait.ge [sflag:s11], $0x800  }
0x31: {  	[sflag:s11] =	ssyncset.done $0x0  }
0x32: {  	s30 =	simm.s32 $0x200;
	[sflag:s11] =	ssyncadd.s32 $0xFFFFF800  }
0x33: {  	[tilespmem:s14], [sflag:$0x1] =	stream.indirect.gather [hbm4b:s4+s13], $0x10, s30, s13, $0xb8;
	[tilespmem:$0xC000] =	vst v63  }
0x34: {  	_ =	swait.ge [sflag:s21], $0x800  }
0x35: {  	[sflag:s21] =	ssyncset.done $0x0  }
0x36: {  	s30 =	simm.s32 $0x2880;
	[sflag:s21] =	ssyncadd.s32 $0xFFFFF800  }
0x37: {  	[spmem:s2] =	stream.indirect.scatter.add.f32 [tilespmem:s15], [sflag:$0x5], $0x10, s30, s13, $0xb8;
	[tilespmem:$0xC000] =	vst v63  }
0x38: {  	_ =	swait.ge [sflag:s11], $0x800  }
0x39: {  	[sflag:s11] =	ssyncset.done $0x0  }
0x3a: {  	s30 =	simm.s32 $0x280;
	[sflag:s11] =	ssyncadd.s32 $0xFFFFF800  }
0x3b: {  	[tilespmem:s15], [sflag:$0x2] =	stream.indirect.gather [hbm4b:s4+s13], $0x10, s30, s13, $0xb8;
	[tilespmem:$0xC000] =	vst v63  }
0x3c: {  	_ =	swait.ge [sflag:s22], $0x800  }
0x3d: {  	[sflag:s22] =	ssyncset.done $0x0  }
0x3e: {  	s30 =	simm.s32 $0x2900;
	[sflag:s22] =	ssyncadd.s32 $0xFFFFF800  }
0x3f: {  	[spmem:s2] =	stream.indirect.scatter.add.f32 [tilespmem:s17], [sflag:$0x5], $0x10, s30, s13, $0xb8;
	[tilespmem:$0xC000] =	vst v63  }
0x40: {  	_ =	swait.ge [sflag:s11], $0x800  }
0x41: {  	[sflag:s11] =	ssyncset.done $0x0  }
0x42: {  	s30 =	simm.s32 $0x300;
	[sflag:s11] =	ssyncadd.s32 $0xFFFFF800  }
0x43: {  	[tilespmem:s17], [sflag:$0x3] =	stream.indirect.gather [hbm4b:s4+s13], $0x10, s30, s13, $0xb8;
	[tilespmem:$0xC000] =	vst v63  }
0x44: {  	_ =	swait.ge [sflag:s23], $0x800  }
0x45: {  	[sflag:s23] =	ssyncset.done $0x0  }
0x46: {  	s30 =	simm.s32 $0x2980;
	[sflag:s23] =	ssyncadd.s32 $0xFFFFF800  }
0x47: {  	[spmem:s2] =	stream.indirect.scatter.add.f32 [tilespmem:s19], [sflag:$0x5], $0x10, s30, s13, $0xb8;
	[tilespmem:$0xC000] =	vst v63  }
0x48: {  	_ =	swait.ge [sflag:s11], $0x800  }
0x49: {  	[sflag:s11] =	ssyncset.done $0x0  }
0x4a: {  	s31 =	simm.s32 $0x380;
	s30 =	simm.s32 $0x800;
	[sflag:s11] =	ssyncadd.s32 $0xFFFFF800  }
.LBB2_4:
0x4b: {  	[tilespmem:s19], [sflag:$0x4] =	stream.indirect.gather [hbm4b:s4+s13], $0x10, s31, s13, $0xb8;
	[tilespmem:$0xC000] =	vst v63  }
0x4c: {  	s31 =	smov.u32 s30  }
0x4d: {  	p0 =	sne.s32 s30, $0x9000;
	s30 =	sadd.s32 $0x800, s30;
	_ =	swait.ge [sflag:s20], $0x800  }
0x4e: {  	s31 =	sshra.s32 s31, $0x2;
	[sflag:s20] =	ssyncset.done $0x0  }
0x4f: {  	s1 =	sadd.s32 $0x2800, s31;
	[sflag:s20] =	ssyncadd.s32 $0xFFFFF800  }
0x50: {  	[spmem:s2] =	stream.indirect.scatter.add.f32 [tilespmem:s14], [sflag:$0x5], $0x10, s1, s13, $0xb8;
	[tilespmem:$0xC000] =	vst v63  }
0x51: {  	_ =	swait.ge [sflag:s11], $0x800  }
0x52: {  	[sflag:s11] =	ssyncset.done $0x0  }
0x53: {  	s1 =	sadd.s32 $0x200, s31;
	[sflag:s11] =	ssyncadd.s32 $0xFFFFF800  }
0x54: {  	[tilespmem:s14], [sflag:$0x1] =	stream.indirect.gather [hbm4b:s4+s13], $0x10, s1, s13, $0xb8;
	[tilespmem:$0xC000] =	vst v63  }
0x55: {  	_ =	swait.ge [sflag:s21], $0x800  }
0x56: {  	[sflag:s21] =	ssyncset.done $0x0  }
0x57: {  	s1 =	sadd.s32 $0x2880, s31;
	[sflag:s21] =	ssyncadd.s32 $0xFFFFF800  }
0x58: {  	[spmem:s2] =	stream.indirect.scatter.add.f32 [tilespmem:s15], [sflag:$0x5], $0x10, s1, s13, $0xb8;
	[tilespmem:$0xC000] =	vst v63  }
0x59: {  	_ =	swait.ge [sflag:s11], $0x800  }
0x5a: {  	[sflag:s11] =	ssyncset.done $0x0  }
0x5b: {  	s1 =	sadd.s32 $0x280, s31;
	[sflag:s11] =	ssyncadd.s32 $0xFFFFF800  }
0x5c: {  	[tilespmem:s15], [sflag:$0x2] =	stream.indirect.gather [hbm4b:s4+s13], $0x10, s1, s13, $0xb8;
	[tilespmem:$0xC000] =	vst v63  }
0x5d: {  	_ =	swait.ge [sflag:s22], $0x800  }
0x5e: {  	[sflag:s22] =	ssyncset.done $0x0  }
0x5f: {  	s1 =	sadd.s32 $0x2900, s31;
	[sflag:s22] =	ssyncadd.s32 $0xFFFFF800  }
0x60: {  	[spmem:s2] =	stream.indirect.scatter.add.f32 [tilespmem:s17], [sflag:$0x5], $0x10, s1, s13, $0xb8;
	[tilespmem:$0xC000] =	vst v63  }
0x61: {  	_ =	swait.ge [sflag:s11], $0x800  }
0x62: {  	[sflag:s11] =	ssyncset.done $0x0  }
0x63: {  	s1 =	sadd.s32 $0x300, s31;
	[sflag:s11] =	ssyncadd.s32 $0xFFFFF800  }
0x64: {  	[tilespmem:s17], [sflag:$0x3] =	stream.indirect.gather [hbm4b:s4+s13], $0x10, s1, s13, $0xb8;
	[tilespmem:$0xC000] =	vst v63  }
0x65: {  	_ =	swait.ge [sflag:s23], $0x800  }
0x66: {  	[sflag:s23] =	ssyncset.done $0x0  }
.Ltmp1:
0x67: {  	s1 =	sadd.s32 $0x2980, s31;
	[sflag:s23] =	ssyncadd.s32 $0xFFFFF800;
	(pc) =	sbr.rel @p0 .LBB2_4-.Ltmp1, $4  }
0x68: {  	[spmem:s2] =	stream.indirect.scatter.add.f32 [tilespmem:s19], [sflag:$0x5], $0x10, s1, s13, $0xb8;
	[tilespmem:$0xC000] =	vst v63  }
0x69: {  	_ =	swait.ge [sflag:s11], $0x800  }
0x6a: {  	[sflag:s11] =	ssyncset.done $0x0  }
0x6b: {  	s31 =	sadd.s32 $0x380, s31;
	[sflag:s11] =	ssyncadd.s32 $0xFFFFF800  }
0x6c: {  	[tilespmem:s19], [sflag:$0x4] =	stream.indirect.gather [hbm4b:s4+s13], $0x10, s31, s13, $0xb8;
	[tilespmem:$0xC000] =	vst v63  }
0x6d: {  	_ =	swait.ge [sflag:s20], $0x800  }
0x6e: {  	[sflag:s20] =	ssyncset.done $0x0  }
0x6f: {  	[sflag:s20] =	ssyncadd.s32 $0xFFFFF800  }
0x70: {  	[spmem:s2] =	stream.indirect.scatter.add.f32 [tilespmem:s14], [sflag:$0x5], $0x10, s24, s13, $0xb8;
	[tilespmem:$0xC000] =	vst v63  }
0x71: {  	_ =	swait.ge [sflag:s11], $0x800  }
0x72: {  	[sflag:s11] =	ssyncset.done $0x0  }
0x73: {  	[sflag:s11] =	ssyncadd.s32 $0xFFFFF800  }
0x74: {  	_ =	swait.ge [sflag:s21], $0x800  }
0x75: {  	[sflag:s21] =	ssyncset.done $0x0  }
0x76: {  	[sflag:s21] =	ssyncadd.s32 $0xFFFFF800  }
0x77: {  	[spmem:s2] =	stream.indirect.scatter.add.f32 [tilespmem:s15], [sflag:$0x5], $0x10, s25, s13, $0xb8;
	[tilespmem:$0xC000] =	vst v63  }
0x78: {  	_ =	swait.ge [sflag:s11], $0x800  }
0x79: {  	[sflag:s11] =	ssyncset.done $0x0  }
0x7a: {  	[sflag:s11] =	ssyncadd.s32 $0xFFFFF800  }
0x7b: {  	_ =	swait.ge [sflag:s22], $0x800  }
0x7c: {  	[sflag:s22] =	ssyncset.done $0x0  }
0x7d: {  	[sflag:s22] =	ssyncadd.s32 $0xFFFFF800  }
0x7e: {  	[spmem:s2] =	stream.indirect.scatter.add.f32 [tilespmem:s17], [sflag:$0x5], $0x10, s26, s13, $0xb8;
	[tilespmem:$0xC000] =	vst v63  }
0x7f: {  	_ =	swait.ge [sflag:s11], $0x800  }
0x80: {  	[sflag:s11] =	ssyncset.done $0x0  }
0x81: {  	[sflag:s11] =	ssyncadd.s32 $0xFFFFF800  }
0x82: {  	_ =	swait.ge [sflag:s23], $0x800  }
0x83: {  	[sflag:s23] =	ssyncset.done $0x0  }
0x84: {  	[sflag:s23] =	ssyncadd.s32 $0xFFFFF800  }
0x85: {  	[spmem:s2] =	stream.indirect.scatter.add.f32 [tilespmem:s19], [sflag:$0x5], $0x10, s28, s13, $0xb8;
	[tilespmem:$0xC000] =	vst v63  }
0x86: {  	_ =	swait.ge [sflag:s11], $0x800  }
0x87: {  	[sflag:s11] =	ssyncset.done $0x0  }
0x88: {  	[sflag:s11] =	ssyncadd.s32 $0xFFFFF800  }
0x89: {  	[bflag:$0x0] =	sbarrier.arrive $0xFFFF  }
0x8a: {  	[tilespmem:s10], [sflag:$0x5] =	stream.linear.gather [spmem:s5], $0x2800, $0x38;
	[tilespmem:$0xC000] =	vst v63  }
0x8b: {  	s29 =	sadd.s32 $0x1, s29;
	_ =	swait.ge [sflag:s11], $0x2800  }
0x8c: {  	p0 =	sne.s32 s29, s9;
	[sflag:s11] =	ssyncset.done $0x0  }
.Ltmp2:
0x8d: {  	[sflag:s11] =	ssyncadd.s32 $0xFFFFD800;
	(pc) =	sbr.rel @p0 .LBB2_1-.Ltmp2, $4  }
0x8e: {  	[hbm4b:s8+s3] =	stream.linear.scatter [tilespmem:s10], [sflag:$0x5], $0x2800, $0x38;
	[tilespmem:$0xC000] =	vst v63  }
0x8f: {  	_ =	swait.ge [sflag:s11], $0x2800  }
0x90: {  	[sflag:s11] =	ssyncset.done $0x0  }
0x91: {  	[sflag:s11] =	ssyncadd.s32 $0xFFFFD800  }
0x92: {  	_ =	sfence.sel $0x180000  }
0x93: {  	[bflag:$0x0] =	sbarrier.arrive $0xFFFF  }
0x94: {  	_ =	strace $0x9000004A  }
0x95: {  	[bflag:$0x2] =	sbarrier.arrive $0xFFFF  }
0x96: {  	p0 =	sne.s32 s0, $0x0;
	s0 =	rddreg [dreg:$0x3]  }
0x97: {  	s0 =	sadd.s32 @!p0 $0x100000, s0  }
0x98: {  	[sflag:s0] =	ssyncadd.tile.s32 @!p0 $0x1;
	_ =	shalt  }
.Lfunc_end2:
_tile_overlayer_lowered:
.L_overlay_start_2:
0x99: {  	(tag) =	ssettag $0x2  }
0x9a: {  	s0 =	rddreg [dreg:$0x0];
	s2 =	stileid.u32  }
0x9b: {  	s1 =	rddreg [dreg:$0x1];
	p0 =	sne.s32 s2, $0x0  }
0x9c: {  	s3 =	rddreg [dreg:$0x2];
	[bflag:$0x3] =	sbarrier.arrive $0xFFFF;
	s2 =	simm.s32 @!p0 $0x1C05  }
0x9d: {  	[timem:s3], [sflag:s2] =	dma.local @!p0 [hbm:s0], s1  }
0x9e: {  	s0 =	simm.s32 @!p0 $0x5  }
0x9f: {  	_ =	swait.ge @!p0 [sflag:s0], s1  }
0xa0: {  	s1 =	ssub.s32 @!p0 $0x0, s1;
	[sflag:s0] =	ssyncset.done @!p0 $0x0  }
0xa1: {  	[sflag:s0] =	ssyncadd.s32 @!p0 s1  }
0xa2: {  	[bflag:$0x3] =	sbarrier.arrive $0xFFFF  }
0xa3: {  	_ =	shalt  }

// kernel: kernel.16.cloned.1.call-start
scs
__scs_entry_jumppad:
0x0: {  	(pc) =	sbr.rel $0x88, $3  }
0x1: {  	(tag) =	ssettag $0x0;
	lr =	simm.s32 $0x1  }
0x2: {  	[smem:$0x3F9B] =	sst lr;
	_ =	strace $0xD0000000  }
0x3: {  	_ = 	snop  }
0x4: {  	_ = 	snop  }
0x5: {  	_ = 	snop  }
0x6: {  	_ = 	snop  }
0x7: {  	_ = 	snop  }
__scs_overlays_trampoline_lowered:
0x8: {  	[smem:$0x3FAA] =	sst s0  }
0x9: {  	[smem:$0x3FAB] =	sst s1  }
0xa: {  	[smem:$0x3FAC] =	sst s2  }
0xb: {  	[smem:$0x3FAD] =	sst s3  }
0xc: {  	[smem:$0x3FAE] =	sst s4  }
0xd: {  	[smem:$0x3FAF] =	sst s5  }
0xe: {  	[smem:$0x3FB0] =	sst s6  }
0xf: {  	[smem:$0x3FB1] =	sst s7  }
0x10: {  	[smem:$0x3FB2] =	sst s8  }
0x11: {  	[smem:$0x3FB3] =	sst s9;
	s0 =	simm.s32 @!p0 $0x0  }
0x12: {  	s1 =	sld [smem:$0x3F99];
	s0 =	simm.s32 @p0 $0x1  }
0x13: {  	[smem:$0x3FB4] =	sst s0;
	s0 =	simm.s32 @!p1 $0x0  }
0x14: {  	s2 =	sld [smem:$0x3F98];
	s0 =	simm.s32 @p1 $0x1  }
0x15: {  	[smem:$0x3FB5] =	sst s0;
	s0 =	simm.s32 @!p2 $0x0  }
0x16: {  	s3 =	sld [smem:$0x3FDB];
	s0 =	simm.s32 @p2 $0x1  }
0x17: {  	s4 =	simm.s32 $0x1BF5;
	[smem:$0x3FB7] =	sst s0  }
0x18: {  	s0 =	sld [smem:$0x3F9A];
	_ =	swait.ge [sflag:s4], $0x0  }
0x19: {  	s7 =	sld [smem:$0x3F9B]  }
0x1a: {  	s8 =	sadd.s32 $0xFFFFE003, lr  }
0x1b: {  	s9 =	sadd.s32 $0xFFFFFEF7, lr;
	s5 =	simm.s32 $0xFFFFFFFF;
	p2 =	slt.u32 s8, $0xFFFFF086  }
0x1c: {  	p1 =	slt.u32 s9, $0xF7A;
	s5 =	simm.s32 @!p2 $0x0  }
0x1d: {  	s5 =	simm.s32 @p1 $0x1;
	p0 =	seq.s32 s7, s2  }
0x1e: {  	s7 =	smul.u32 @!p0 $0xF7A, s2;
	p2 =	seq.s32 @!p0 s5, $0x0  }
0x1f: {  	s9 =	smul.u32 $0xF7A, s1;
	s8 =	simm.s32 @!p0 $0x1BF5;
	p2 =	por !p2, p0  }
0x20: {  	[sflag:s8] =	ssyncset.s32 @!p0 $0xFFFFF086;
	s6 =	sadd.s32 @!p0 s3, s7;
	s7 =	simm.s32 @!p0 $0x108  }
0x21: {  	s3 =	sadd.s32 s3, s9;
	s6 =	sadd.s32 @!p0 $0x88, s6;
	s7 =	simm.s32 @p2 $0x1082  }
0x22: {  	[simem:s7], [sflag:s8] =	dma.local @!p0 [hbm:s6], $0xF7A  }
0x23: {  	s9 =	sor.u32 $0xD0000000, s2;
	s6 =	simm.s32 $0x108;
	_ =	swait.ge @!p0 [sflag:s8], $0x0  }
0x24: {  	s3 =	sadd.s32 $0x88, s3;
	s6 =	simm.s32 @!p1 $0x1082;
	[sflag:s4] =	ssyncset.s32 $0xFFFFF086  }
0x25: {  	[simem:s6], [sflag:s4] =	dma.local [hbm:s3], $0xF7A  }
0x26: {  	[smem:$0x3F9B] =	sst s1;
	(tag) =	ssettag s2;
	_ =	strace s9  }
0x27: {  	s1 =	sld [smem:$0x3FAB]  }
0x28: {  	s2 =	sld [smem:$0x3FAC]  }
0x29: {  	s4 =	sld [smem:$0x3FAE]  }
0x2a: {  	p0 =	seq.s32 s5, $0x0;
	s5 =	sld [smem:$0x3FAF]  }
0x2b: {  	s6 =	sld [smem:$0x3FB0]  }
0x2c: {  	s7 =	sld [smem:$0x3FB1]  }
0x2d: {  	s3 =	simm.s32 $0x108;
	s8 =	sld [smem:$0x3FB2]  }
0x2e: {  	s3 =	simm.s32 @!p0 $0x1082;
	s9 =	sld [smem:$0x3FB3]  }
0x2f: {  	lr =	sadd.s32 s0, s3;
	s0 =	sld [smem:$0x3FAA]  }
0x30: {  	s3 =	sld [smem:$0x3FAD]  }
0x31: {  	[smem:$0x3FB6] =	sst s10  }
0x32: {  	s10 =	sld [smem:$0x3FB4];
	_ =	sdelay $0x3  }
0x33: {  	p0 =	seq.s32 s10, $0x1;
	s10 =	sld [smem:$0x3FB6];
	_ =	sdelay $0x3  }
0x34: {  	[smem:$0x3FB6] =	sst s10  }
0x35: {  	s10 =	sld [smem:$0x3FB5];
	_ =	sdelay $0x3  }
0x36: {  	p1 =	seq.s32 s10, $0x1;
	s10 =	sld [smem:$0x3FB6];
	_ =	sdelay $0x3  }
0x37: {  	[smem:$0x3FB6] =	sst s10  }
0x38: {  	s10 =	sld [smem:$0x3FB7]  }
0x39: {  	_ = 	snop;
	(pc) =	sbr.ind lr, $3  }
0x3a: {  	_ = 	snop  }
0x3b: {  	_ = 	snop  }
0x3c: {  	p2 =	seq.s32 s10, $0x1;
	s10 =	sld [smem:$0x3FB6]  }
0x3d: {  	_ =	shalt  }
0x3e: {  	_ =	shalt  }
0x3f: {  	_ =	shalt  }
0x40: {  	_ =	shalt  }
0x41: {  	_ =	shalt  }
0x42: {  	_ =	shalt  }
0x43: {  	_ =	shalt  }
0x44: {  	_ =	shalt  }
0x45: {  	_ =	shalt  }
0x46: {  	_ =	shalt  }
0x47: {  	_ =	shalt  }
0x48: {  	_ =	shalt  }
0x49: {  	_ =	shalt  }
0x4a: {  	_ =	shalt  }
0x4b: {  	_ =	shalt  }
0x4c: {  	_ =	shalt  }
0x4d: {  	_ =	shalt  }
0x4e: {  	_ =	shalt  }
0x4f: {  	_ =	shalt  }
0x50: {  	_ =	shalt  }
0x51: {  	_ =	shalt  }
0x52: {  	_ =	shalt  }
0x53: {  	_ =	shalt  }
0x54: {  	_ =	shalt  }
0x55: {  	_ =	shalt  }
0x56: {  	_ =	shalt  }
0x57: {  	_ =	shalt  }
0x58: {  	_ =	shalt  }
0x59: {  	_ =	shalt  }
0x5a: {  	_ =	shalt  }
0x5b: {  	_ =	shalt  }
0x5c: {  	_ =	shalt  }
0x5d: {  	_ =	shalt  }
0x5e: {  	_ =	shalt  }
0x5f: {  	_ =	shalt  }
0x60: {  	_ =	shalt  }
0x61: {  	_ =	shalt  }
0x62: {  	_ =	shalt  }
0x63: {  	_ =	shalt  }
0x64: {  	_ =	shalt  }
0x65: {  	_ =	shalt  }
0x66: {  	_ =	shalt  }
0x67: {  	_ =	shalt  }
0x68: {  	_ =	shalt  }
0x69: {  	_ =	shalt  }
0x6a: {  	_ =	shalt  }
0x6b: {  	_ =	shalt  }
0x6c: {  	_ =	shalt  }
0x6d: {  	_ =	shalt  }
0x6e: {  	_ =	shalt  }
0x6f: {  	_ =	shalt  }
0x70: {  	_ =	shalt  }
0x71: {  	_ =	shalt  }
0x72: {  	_ =	shalt  }
0x73: {  	_ =	shalt  }
0x74: {  	_ =	shalt  }
0x75: {  	_ =	shalt  }
0x76: {  	_ =	shalt  }
0x77: {  	_ =	shalt  }
0x78: {  	_ =	shalt  }
0x79: {  	_ =	shalt  }
0x7a: {  	_ =	shalt  }
0x7b: {  	_ =	shalt  }
0x7c: {  	_ =	shalt  }
0x7d: {  	_ =	shalt  }
0x7e: {  	_ =	shalt  }
0x7f: {  	_ =	shalt  }
0x80: {  	_ =	shalt  }
0x81: {  	_ =	shalt  }
0x82: {  	_ =	shalt  }
0x83: {  	_ =	shalt  }
0x84: {  	_ =	shalt  }
0x85: {  	_ =	shalt  }
0x86: {  	_ =	shalt  }
0x87: {  	_ =	shalt  }
.Lfunc_end0:
.L_simem_size_0:
called_computation.2_lowered:
.L_overlay_start_0:
0x88: {  	s2 =	sld [smem:$0x3FD9]  }
0x89: {  	s3 =	sld [smem:$0x3FFE];
	_ =	sdelay $0x1  }
0x8a: {  	s1 =	srdreg.scid  }
0x8b: {  	s0 =	sand.u32 $0x1, s1  }
0x8c: {  	s17 =	sshll.u32 s0, $0xA;
	s2 =	sadd.s32 s3, s2  }
0x8d: {  	s2 =	sadd.s32 s2, s17  }
0x8e: {  	[smem:$0x3FC2] =	sst s2  }
0x8f: {  	_ = 	snop  }
0x90: {  	s2 =	sld [smem:$0x3FD0];
	(tm) =	ssettm $0x1  }
0x91: {  	s18 =	sld [smem:$0x3FFB];
	_ =	sdelay $0x3  }
0x92: {  	_ =	strace s18  }
0x93: {  	s3 =	sld [smem:$0x3FFC];
	_ =	sdelay $0x3  }
0x94: {  	_ =	strace s3  }
0x95: {  	s3 =	sld [smem:$0x3FFD];
	_ =	sdelay $0x3  }
0x96: {  	_ =	strace s3  }
0x97: {  	_ =	strace $0x8FFFFFFF  }
0x98: {  	s19 =	sld [smem:$0x3FDB];
	_ =	sdelay $0x1  }
0x99: {  	s4 =	simm.s32 $_scs_section_size  }
0x9a: {  	s5 =	simm.s32 $_size__tile_overlayer_lowered;
	s6 =	simm.s32 $_tile_overlayer_lowered  }
0x9b: {  	s22 =	simm.s32 $0x1BFF;
	s21 =	sshll.u32 s6, $0x1;
	s3 =	sadd.s32 s4, s19  }
0x9c: {  	s7 =	simm.s32 $0x0;
	s20 =	sshll.u32 s5, $0x1;
	s5 =	sadd.s32 s21, s3  }
0x9d: {  	[timem:s7], [sflag:s22] =	dma.local [hbm:s5], s20  }
0x9e: {  	_ =	swait.ge [sflag:s22], s20  }
0x9f: {  	s4 =	ssub.s32 $0x0, s20;
	[sflag:s22] =	ssyncset.done $0x0  }
0xa0: {  	[sflag:s22] =	ssyncadd.s32 s4;
	_ =	sdelay $0x1  }
0xa1: {  	s23 =	simm.s32 $0x1B8B  }
0xa2: {  	_ =	swait.ge [sflag:s23], $0x1  }
0xa3: {  	[sflag:s23] =	ssyncset.done $0x0  }
0xa4: {  	s25 =	simm.s32 $0x1B8E;
	s24 =	sld [smem:$0x3FFE];
	[sflag:s23] =	ssyncadd.s32 $0xFFFFFFFF  }
0xa5: {  	s26 =	simm.s32 $execute0_lowered;
	[smem:$0x3FD2] =	sst s25  }
0xa6: {  	s5 =	sshll.u32 s26, $0x1;
	_ =	strace $0x8000004C;
	[dreg:$0x1] =	wrdreg $0xFFFFFFFF  }
0xa7: {  	s28 =	simm.s32 $_size_execute0_lowered;
	s3 =	sadd.s32 s3, s5;
	[dreg:$0x0] =	wrdreg $0x0  }
0xa8: {  	s5 =	sshll.u32 s28, $0x1;
	[dreg:$0x2] =	wrdreg s3  }
0xa9: {  	[dreg:$0x3] =	wrdreg s5  }
0xaa: {  	[dreg:$0x4] =	wrdreg $0xC0  }
0xab: {  	_ =	task [dreg:s7], $0x5FFFF  }
0xac: {  	[dreg:$0x1] =	wrdreg $0xFFFFFFFF  }
0xad: {  	[dreg:$0x0] =	wrdreg $0x60  }
0xae: {  	[dreg:$0x2] =	wrdreg s24  }
0xaf: {  	[dreg:$0x3] =	wrdreg s2  }
0xb0: {  	[dreg:$0x4] =	wrdreg $0x98000  }
0xb1: {  	[dreg:$0x5] =	wrdreg $0x9  }
0xb2: {  	_ =	task.clear_ibuf [dreg:s7], $0x6FFFF;
	_ =	strace $0x9000004C  }
0xb3: {  	s29 =	simm.s32 $0x9;
	_ =	strace $0x8000004E  }
0xb4: {  	_ =	swait.ge [sflag:s29], $0x1  }
0xb5: {  	[sflag:s29] =	ssyncadd.s32 $0xFFFFFFFF  }
0xb6: {  	_ =	strace $0x9000004E  }
0xb7: {  	_ =	sfence  }
0xb8: {  	s30 =	sld [smem:$0x0];
	_ =	sdelay $0x2  }
0xb9: {  	s31 =	sshll.u32 s1, $0xD;
	s1 =	sshrl.u32 s1, $0x2  }
0xba: {  	s3 =	sand.u32 $0x4000, s31;
	s1 =	sadd.s32 s1, s30  }
0xbb: {  	s0 =	sor.u32 s3, s0;
	s1 =	sshll.u32 s1, $0x11  }
0xbc: {  	s0 =	sor.u32 s1, s0  }
0xbd: {  	s0 =	sadd.s32 $0x8F2B, s0  }
0xbe: {  	[sflag:s0] =	ssyncadd.remote.s32 $0x1  }
0xbf: {  	_ =	sfence.sel $0xFFFF  }
0xc0: {  	[dreg:$0x0] =	wrdreg $0xFFFFFFFF;
	(pc) =	sbr.abs _section_cstart, $3  }
0xc1: {  	[dreg:$0x1] =	wrdreg $0xFFFFFFFF  }
0xc2: {  	_ =	task.clear_ibuf [dreg:s7], $0x2FFFF;
	_ =	strace $0x9FFFFFFF  }
0xc3: {  	(tm) =	ssettm $0x7FFFFFFF  }
tec
execute0_lowered:
.L_overlay_start_1:
0x0: {  	(tag) =	ssettag $0x1  }
0x1: {  	s5 =	rddreg [dreg:$0x0]  }
0x2: {  	s7 =	rddreg [dreg:$0x1]  }
0x3: {  	s0 =	srdreg.scid;
	s2 =	rddreg [dreg:$0x2];
	s3 =	simm.s32 $0x0  }
0x4: {  	s13 =	simm.s32 $0x80;
	s14 =	simm.s32 $0x5000;
	s15 =	simm.s32 $0x5800  }
0x5: {  	s16 =	simm.s32 $0x100;
	s17 =	simm.s32 $0x6000;
	s18 =	simm.s32 $0x180  }
0x6: {  	s19 =	simm.s32 $0x6800;
	s20 =	simm.s32 $0x1;
	s21 =	simm.s32 $0x2  }
0x7: {  	s22 =	simm.s32 $0x3;
	s23 =	simm.s32 $0x4;
	s24 =	simm.s32 $0x4E00  }
0x8: {  	s25 =	simm.s32 $0x4E80;
	s26 =	simm.s32 $0x4F00;
	s28 =	simm.s32 $0x4F80  }
0x9: {  	s29 =	simm.s32 $0x0;
	s6 =	sand.u32 $0x1, s0;
	s0 =	stileid.u32  }
0xa: {  	[smem:$0x7FF] =	sst s3;
	s1 =	sshll.u32 s6, $0x4;
	s9 =	smul.u32 $0x500, s0  }
0xb: {  	_ =	strace $0x8000004D;
	s10 =	smul.u32 $0x5000, s6;
	s6 =	ssub.s32 $0x2, s6  }
0xc: {  	s11 =	smul.u32 $0xA000, s0;
	s4 =	sor.u32 s0, s1;
	s30 =	sshrl.u32 s6, $0x1  }
0xd: {  	s8 =	smul.u32 $0x500, s4;
	s4 =	sadd.s32 $0xB600, s5;
	s9 =	sadd.s32 s9, s10  }
0xe: {  	s10 =	ssub.s32 s6, s30;
	s31 =	sshrl.u32 s11, $0x2;
	s11 =	simm.s32 $0x5  }
0xf: {  	s9 =	sadd.s32 s9, s5;
	s12 =	sadd.s32 s8, s5;
	s5 =	sadd.s32 s31, s2  }
0x10: {  	s7 =	sadd.s32 s7, s8;
	s8 =	sadd.s32 $0x10600, s9;
	s9 =	smax.u32 s10, $0x1  }
0x11: {  	v0 =	vimm.f32 $0.0e+00;
	s10 =	simm.s32 $0x7000;
	s6 =	sadd.s32 $0x1600, s12;
	s12 =	simm.s32 $0x2800  }
.LBB2_1:
0x12: {  	s30 =	simm.s32 $0x40;
	s31 =	simm.s32 $0x0  }
.LBB2_2:
0x13: {  	p0 =	sne.s32 s30, $0x9FC0;
	[tilespmem:s31+$0x7000] =	vst v0;
	s31 =	smov.u32 s30;
	s30 =	sadd.s32 $0x40, s30  }
.Ltmp0:
0x14: {  	(pc) =	sbr.rel @p0 .LBB2_2-.Ltmp0, $2  }
0x15: {  	_ =	sdelay $0x2  }
0x16: {  	s31 =	sshra.s32 s31, $0x2  }
0x17: {  	[tilespmem:s31+$0x7000] =	vst v0  }
0x18: {  	[spmem:s5] =	stream.linear.scatter [tilespmem:s10], [sflag:$0x5], $0x2800, $0x38;
	[tilespmem:$0xC000] =	vst v63  }
0x19: {  	_ =	swait.ge [sflag:s11], $0x2800  }
0x1a: {  	[sflag:s11] =	ssyncset.done $0x0  }
0x1b: {  	s30 =	simm.s32 $0x0;
	[sflag:s11] =	ssyncadd.s32 $0xFFFFD800  }
0x1c: {  	[tilespmem:s30], [sflag:$0x5] =	stream.linear.gather [hbm4b:s6+s30], $0x2800, $0x38;
	[tilespmem:$0xC000] =	vst v63  }
0x1d: {  	_ =	swait.ge [sflag:s11], $0x2800  }
0x1e: {  	[sflag:s11] =	ssyncset.done $0x0  }
0x1f: {  	[sflag:s11] =	ssyncadd.s32 $0xFFFFD800  }
0x20: {  	[tilespmem:s12], [sflag:$0x5] =	stream.linear.gather [hbm4b:s7+s30], $0x2800, $0x38;
	[tilespmem:$0xC000] =	vst v63  }
0x21: {  	_ =	swait.ge [sflag:s11], $0x2800  }
0x22: {  	[sflag:s11] =	ssyncset.done $0x0  }
0x23: {  	[sflag:s11] =	ssyncadd.s32 $0xFFFFD800  }
0x24: {  	[bflag:$0x0] =	sbarrier.arrive $0xFFFF  }
0x25: {  	[tilespmem:s14], [sflag:$0x1] =	stream.indirect.gather [hbm4b:s4+s13], $0x10, s30, s13, $0xb8;
	[tilespmem:$0xC000] =	vst v63  }
0x26: {  	_ = 	snop  }
0x27: {  	[tilespmem:s15], [sflag:$0x2] =	stream.indirect.gather [hbm4b:s4+s13], $0x10, s13, s13, $0xb8;
	[tilespmem:$0xC000] =	vst v63  }
0x28: {  	_ = 	snop  }
0x29: {  	[tilespmem:s17], [sflag:$0x3] =	stream.indirect.gather [hbm4b:s4+s13], $0x10, s16, s13, $0xb8;
	[tilespmem:$0xC000] =	vst v63  }
0x2a: {  	_ = 	snop  }
0x2b: {  	[tilespmem:s19], [sflag:$0x4] =	stream.indirect.gather [hbm4b:s4+s13], $0x10, s18, s13, $0xb8;
	[tilespmem:$0xC000] =	vst v63  }
0x2c: {  	_ =	swait.ge [sflag:s20], $0x800  }
0x2d: {  	[sflag:s20] =	ssyncset.done $0x0  }
0x2e: {  	s30 =	simm.s32 $0x2800;
	[sflag:s20] =	ssyncadd.s32 $0xFFFFF800  }
0x2f: {  	[spmem:s2] =	stream.indirect.scatter.add.f32 [tilespmem:s14], [sflag:$0x5], $0x10, s30, s13, $0xb8;
	[tilespmem:$0xC000] =	vst v63  }
0x30: {  	_ =	swait.ge [sflag:s11], $0x800  }
0x31: {  	[sflag:s11] =	ssyncset.done $0x0  }
0x32: {  	s30 =	simm.s32 $0x200;
	[sflag:s11] =	ssyncadd.s32 $0xFFFFF800  }
0x33: {  	[tilespmem:s14], [sflag:$0x1] =	stream.indirect.gather [hbm4b:s4+s13], $0x10, s30, s13, $0xb8;
	[tilespmem:$0xC000] =	vst v63  }
0x34: {  	_ =	swait.ge [sflag:s21], $0x800  }
0x35: {  	[sflag:s21] =	ssyncset.done $0x0  }
0x36: {  	s30 =	simm.s32 $0x2880;
	[sflag:s21] =	ssyncadd.s32 $0xFFFFF800  }
0x37: {  	[spmem:s2] =	stream.indirect.scatter.add.f32 [tilespmem:s15], [sflag:$0x5], $0x10, s30, s13, $0xb8;
	[tilespmem:$0xC000] =	vst v63  }
0x38: {  	_ =	swait.ge [sflag:s11], $0x800  }
0x39: {  	[sflag:s11] =	ssyncset.done $0x0  }
0x3a: {  	s30 =	simm.s32 $0x280;
	[sflag:s11] =	ssyncadd.s32 $0xFFFFF800  }
0x3b: {  	[tilespmem:s15], [sflag:$0x2] =	stream.indirect.gather [hbm4b:s4+s13], $0x10, s30, s13, $0xb8;
	[tilespmem:$0xC000] =	vst v63  }
0x3c: {  	_ =	swait.ge [sflag:s22], $0x800  }
0x3d: {  	[sflag:s22] =	ssyncset.done $0x0  }
0x3e: {  	s30 =	simm.s32 $0x2900;
	[sflag:s22] =	ssyncadd.s32 $0xFFFFF800  }
0x3f: {  	[spmem:s2] =	stream.indirect.scatter.add.f32 [tilespmem:s17], [sflag:$0x5], $0x10, s30, s13, $0xb8;
	[tilespmem:$0xC000] =	vst v63  }
0x40: {  	_ =	swait.ge [sflag:s11], $0x800  }
0x41: {  	[sflag:s11] =	ssyncset.done $0x0  }
0x42: {  	s30 =	simm.s32 $0x300;
	[sflag:s11] =	ssyncadd.s32 $0xFFFFF800  }
0x43: {  	[tilespmem:s17], [sflag:$0x3] =	stream.indirect.gather [hbm4b:s4+s13], $0x10, s30, s13, $0xb8;
	[tilespmem:$0xC000] =	vst v63  }
0x44: {  	_ =	swait.ge [sflag:s23], $0x800  }
0x45: {  	[sflag:s23] =	ssyncset.done $0x0  }
0x46: {  	s30 =	simm.s32 $0x2980;
	[sflag:s23] =	ssyncadd.s32 $0xFFFFF800  }
0x47: {  	[spmem:s2] =	stream.indirect.scatter.add.f32 [tilespmem:s19], [sflag:$0x5], $0x10, s30, s13, $0xb8;
	[tilespmem:$0xC000] =	vst v63  }
0x48: {  	_ =	swait.ge [sflag:s11], $0x800  }
0x49: {  	[sflag:s11] =	ssyncset.done $0x0  }
0x4a: {  	s31 =	simm.s32 $0x380;
	s30 =	simm.s32 $0x800;
	[sflag:s11] =	ssyncadd.s32 $0xFFFFF800  }
.LBB2_4:
0x4b: {  	[tilespmem:s19], [sflag:$0x4] =	stream.indirect.gather [hbm4b:s4+s13], $0x10, s31, s13, $0xb8;
	[tilespmem:$0xC000] =	vst v63  }
0x4c: {  	s31 =	smov.u32 s30  }
0x4d: {  	p0 =	sne.s32 s30, $0x9000;
	s30 =	sadd.s32 $0x800, s30;
	_ =	swait.ge [sflag:s20], $0x800  }
0x4e: {  	s31 =	sshra.s32 s31, $0x2;
	[sflag:s20] =	ssyncset.done $0x0  }
0x4f: {  	s1 =	sadd.s32 $0x2800, s31;
	[sflag:s20] =	ssyncadd.s32 $0xFFFFF800  }
0x50: {  	[spmem:s2] =	stream.indirect.scatter.add.f32 [tilespmem:s14], [sflag:$0x5], $0x10, s1, s13, $0xb8;
	[tilespmem:$0xC000] =	vst v63  }
0x51: {  	_ =	swait.ge [sflag:s11], $0x800  }
0x52: {  	[sflag:s11] =	ssyncset.done $0x0  }
0x53: {  	s1 =	sadd.s32 $0x200, s31;
	[sflag:s11] =	ssyncadd.s32 $0xFFFFF800  }
0x54: {  	[tilespmem:s14], [sflag:$0x1] =	stream.indirect.gather [hbm4b:s4+s13], $0x10, s1, s13, $0xb8;
	[tilespmem:$0xC000] =	vst v63  }
0x55: {  	_ =	swait.ge [sflag:s21], $0x800  }
0x56: {  	[sflag:s21] =	ssyncset.done $0x0  }
0x57: {  	s1 =	sadd.s32 $0x2880, s31;
	[sflag:s21] =	ssyncadd.s32 $0xFFFFF800  }
0x58: {  	[spmem:s2] =	stream.indirect.scatter.add.f32 [tilespmem:s15], [sflag:$0x5], $0x10, s1, s13, $0xb8;
	[tilespmem:$0xC000] =	vst v63  }
0x59: {  	_ =	swait.ge [sflag:s11], $0x800  }
0x5a: {  	[sflag:s11] =	ssyncset.done $0x0  }
0x5b: {  	s1 =	sadd.s32 $0x280, s31;
	[sflag:s11] =	ssyncadd.s32 $0xFFFFF800  }
0x5c: {  	[tilespmem:s15], [sflag:$0x2] =	stream.indirect.gather [hbm4b:s4+s13], $0x10, s1, s13, $0xb8;
	[tilespmem:$0xC000] =	vst v63  }
0x5d: {  	_ =	swait.ge [sflag:s22], $0x800  }
0x5e: {  	[sflag:s22] =	ssyncset.done $0x0  }
0x5f: {  	s1 =	sadd.s32 $0x2900, s31;
	[sflag:s22] =	ssyncadd.s32 $0xFFFFF800  }
0x60: {  	[spmem:s2] =	stream.indirect.scatter.add.f32 [tilespmem:s17], [sflag:$0x5], $0x10, s1, s13, $0xb8;
	[tilespmem:$0xC000] =	vst v63  }
0x61: {  	_ =	swait.ge [sflag:s11], $0x800  }
0x62: {  	[sflag:s11] =	ssyncset.done $0x0  }
0x63: {  	s1 =	sadd.s32 $0x300, s31;
	[sflag:s11] =	ssyncadd.s32 $0xFFFFF800  }
0x64: {  	[tilespmem:s17], [sflag:$0x3] =	stream.indirect.gather [hbm4b:s4+s13], $0x10, s1, s13, $0xb8;
	[tilespmem:$0xC000] =	vst v63  }
0x65: {  	_ =	swait.ge [sflag:s23], $0x800  }
0x66: {  	[sflag:s23] =	ssyncset.done $0x0  }
.Ltmp1:
0x67: {  	s1 =	sadd.s32 $0x2980, s31;
	[sflag:s23] =	ssyncadd.s32 $0xFFFFF800;
	(pc) =	sbr.rel @p0 .LBB2_4-.Ltmp1, $4  }
0x68: {  	[spmem:s2] =	stream.indirect.scatter.add.f32 [tilespmem:s19], [sflag:$0x5], $0x10, s1, s13, $0xb8;
	[tilespmem:$0xC000] =	vst v63  }
0x69: {  	_ =	swait.ge [sflag:s11], $0x800  }
0x6a: {  	[sflag:s11] =	ssyncset.done $0x0  }
0x6b: {  	s31 =	sadd.s32 $0x380, s31;
	[sflag:s11] =	ssyncadd.s32 $0xFFFFF800  }
0x6c: {  	[tilespmem:s19], [sflag:$0x4] =	stream.indirect.gather [hbm4b:s4+s13], $0x10, s31, s13, $0xb8;
	[tilespmem:$0xC000] =	vst v63  }
0x6d: {  	_ =	swait.ge [sflag:s20], $0x800  }
0x6e: {  	[sflag:s20] =	ssyncset.done $0x0  }
0x6f: {  	[sflag:s20] =	ssyncadd.s32 $0xFFFFF800  }
0x70: {  	[spmem:s2] =	stream.indirect.scatter.add.f32 [tilespmem:s14], [sflag:$0x5], $0x10, s24, s13, $0xb8;
	[tilespmem:$0xC000] =	vst v63  }
0x71: {  	_ =	swait.ge [sflag:s11], $0x800  }
0x72: {  	[sflag:s11] =	ssyncset.done $0x0  }
0x73: {  	[sflag:s11] =	ssyncadd.s32 $0xFFFFF800  }
0x74: {  	_ =	swait.ge [sflag:s21], $0x800  }
0x75: {  	[sflag:s21] =	ssyncset.done $0x0  }
0x76: {  	[sflag:s21] =	ssyncadd.s32 $0xFFFFF800  }
0x77: {  	[spmem:s2] =	stream.indirect.scatter.add.f32 [tilespmem:s15], [sflag:$0x5], $0x10, s25, s13, $0xb8;
	[tilespmem:$0xC000] =	vst v63  }
0x78: {  	_ =	swait.ge [sflag:s11], $0x800  }
0x79: {  	[sflag:s11] =	ssyncset.done $0x0  }
0x7a: {  	[sflag:s11] =	ssyncadd.s32 $0xFFFFF800  }
0x7b: {  	_ =	swait.ge [sflag:s22], $0x800  }
0x7c: {  	[sflag:s22] =	ssyncset.done $0x0  }
0x7d: {  	[sflag:s22] =	ssyncadd.s32 $0xFFFFF800  }
0x7e: {  	[spmem:s2] =	stream.indirect.scatter.add.f32 [tilespmem:s17], [sflag:$0x5], $0x10, s26, s13, $0xb8;
	[tilespmem:$0xC000] =	vst v63  }
0x7f: {  	_ =	swait.ge [sflag:s11], $0x800  }
0x80: {  	[sflag:s11] =	ssyncset.done $0x0  }
0x81: {  	[sflag:s11] =	ssyncadd.s32 $0xFFFFF800  }
0x82: {  	_ =	swait.ge [sflag:s23], $0x800  }
0x83: {  	[sflag:s23] =	ssyncset.done $0x0  }
0x84: {  	[sflag:s23] =	ssyncadd.s32 $0xFFFFF800  }
0x85: {  	[spmem:s2] =	stream.indirect.scatter.add.f32 [tilespmem:s19], [sflag:$0x5], $0x10, s28, s13, $0xb8;
	[tilespmem:$0xC000] =	vst v63  }
0x86: {  	_ =	swait.ge [sflag:s11], $0x800  }
0x87: {  	[sflag:s11] =	ssyncset.done $0x0  }
0x88: {  	[sflag:s11] =	ssyncadd.s32 $0xFFFFF800  }
0x89: {  	[bflag:$0x0] =	sbarrier.arrive $0xFFFF  }
0x8a: {  	[tilespmem:s10], [sflag:$0x5] =	stream.linear.gather [spmem:s5], $0x2800, $0x38;
	[tilespmem:$0xC000] =	vst v63  }
0x8b: {  	s29 =	sadd.s32 $0x1, s29;
	_ =	swait.ge [sflag:s11], $0x2800  }
0x8c: {  	p0 =	sne.s32 s29, s9;
	[sflag:s11] =	ssyncset.done $0x0  }
.Ltmp2:
0x8d: {  	[sflag:s11] =	ssyncadd.s32 $0xFFFFD800;
	(pc) =	sbr.rel @p0 .LBB2_1-.Ltmp2, $4  }
0x8e: {  	[hbm4b:s8+s3] =	stream.linear.scatter [tilespmem:s10], [sflag:$0x5], $0x2800, $0x38;
	[tilespmem:$0xC000] =	vst v63  }
0x8f: {  	_ =	swait.ge [sflag:s11], $0x2800  }
0x90: {  	[sflag:s11] =	ssyncset.done $0x0  }
0x91: {  	[sflag:s11] =	ssyncadd.s32 $0xFFFFD800  }
0x92: {  	_ =	sfence.sel $0x180000  }
0x93: {  	[bflag:$0x0] =	sbarrier.arrive $0xFFFF  }
0x94: {  	_ =	strace $0x9000004D  }
0x95: {  	[bflag:$0x2] =	sbarrier.arrive $0xFFFF  }
0x96: {  	p0 =	sne.s32 s0, $0x0;
	s0 =	rddreg [dreg:$0x3]  }
0x97: {  	s0 =	sadd.s32 @!p0 $0x100000, s0  }
0x98: {  	[sflag:s0] =	ssyncadd.tile.s32 @!p0 $0x1;
	_ =	shalt  }
.Lfunc_end2:
_tile_overlayer_lowered:
.L_overlay_start_2:
0x99: {  	(tag) =	ssettag $0x2  }
0x9a: {  	s0 =	rddreg [dreg:$0x0];
	s2 =	stileid.u32  }
0x9b: {  	s1 =	rddreg [dreg:$0x1];
	p0 =	sne.s32 s2, $0x0  }
0x9c: {  	s3 =	rddreg [dreg:$0x2];
	[bflag:$0x3] =	sbarrier.arrive $0xFFFF;
	s2 =	simm.s32 @!p0 $0x1C05  }
0x9d: {  	[timem:s3], [sflag:s2] =	dma.local @!p0 [hbm:s0], s1  }
0x9e: {  	s0 =	simm.s32 @!p0 $0x5  }
0x9f: {  	_ =	swait.ge @!p0 [sflag:s0], s1  }
0xa0: {  	s1 =	ssub.s32 @!p0 $0x0, s1;
	[sflag:s0] =	ssyncset.done @!p0 $0x0  }
0xa1: {  	[sflag:s0] =	ssyncadd.s32 @!p0 s1  }
0xa2: {  	[bflag:$0x3] =	sbarrier.arrive $0xFFFF  }
0xa3: {  	_ =	shalt  }

</sc_bundles>
